<compile_context>
chip_gen: v7x
topology: tpu7x:2x2x1
jax: 0.10.2.dev20260603
libtpu: 0.0.44.dev20260713+nightly
codegen_flags: <defaults>
</compile_context>

<pallas_src>
import functools

import jax
import jax.numpy as jnp
from jax import lax
from jax.experimental import pallas as pl
from jax.experimental.pallas import tpu as pltpu
from jax.experimental.pallas import tpu_sc as plsc

NUM_RULES = 100000
RULE_DIM = 64
BATCH = 4096
NUM_ACTIVE = 26

NC = 2
NS = 16
ROUNDS = RULE_DIM // (NC * NS)
LANES = 16


@functools.partial(
    pl.kernel,
    mesh=plsc.VectorSubcoreMesh(core_axis_name="c", subcore_axis_name="s"),
    out_type=jax.ShapeDtypeStruct((NUM_ACTIVE, RULE_DIM, BATCH), jnp.float32),
    scratch_types=[
        pltpu.VMEM((NUM_RULES,), jnp.float32),
        pltpu.VMEM((2, BATCH), jnp.int32),
        pltpu.VMEM((2, BATCH), jnp.float32),
        pltpu.SemaphoreType.DMA,
        pltpu.SemaphoreType.DMA,
        pltpu.SemaphoreType.DMA,
    ],
    compiler_params=pltpu.CompilerParams(needs_layout_passes=False),
)
def _tgather(t_hbm, i_hbm, out_hbm, row_v, idx_v, outb_v, sem_row, sem_in,
             sem_out):
    c = lax.axis_index("c")
    s = lax.axis_index("s")
    for r in range(ROUNDS):
        d = c * (NS * ROUNDS) + r * NS + s
        pltpu.async_copy(t_hbm.at[d], row_v, sem_row).wait()
        pltpu.async_copy(i_hbm.at[0], idx_v.at[0], sem_in)

        def one_a(a, buf):
            pltpu.make_async_copy(i_hbm.at[a], idx_v.at[buf], sem_in).wait()

            @pl.when(a + 1 < NUM_ACTIVE)
            def _():
                pltpu.async_copy(i_hbm.at[a + 1], idx_v.at[1 - buf], sem_in)

            @pl.when(a >= 2)
            def _():
                pltpu.make_async_copy(
                    outb_v.at[buf], out_hbm.at[a - 2, d], sem_out
                ).wait()

            def g_body(k):
                iv = idx_v[buf, pl.ds(k, LANES)]
                outb_v[buf, pl.ds(k, LANES)] = plsc.load_gather(row_v, [iv])

            plsc.parallel_loop(0, LANES, LANES, unroll=1)(g_body)
            pltpu.async_copy(outb_v.at[buf], out_hbm.at[a, d], sem_out)

        def a_body(q, _):
            one_a(2 * q, 0)
            one_a(2 * q + 1, 1)
            return ()

        lax.fori_loop(0, NUM_ACTIVE // 2, a_body, ())
        for a in (NUM_ACTIVE - 2, NUM_ACTIVE - 1):
            pltpu.make_async_copy(
                outb_v.at[a % 2], out_hbm.at[a, d], sem_out
            ).wait()


def kernel(rule_indices, rules):
    t = rules.T
    idx = rule_indices.T.astype(jnp.int32)
    out = _tgather(t, idx)
    return jnp.transpose(out, (2, 0, 1))

# --- scband reference (transcript-rebuilt; emitter-appended) ---
"""Pipeline reference for scband-symbolic-rule-bank-40518721471130 (READ-ONLY COPY).

The authoritative reference and input builder live on the scoring server;
editing this copy changes nothing except your own understanding.
"""

import jax, jax.numpy as jnp
import numpy as np

NUM_RULES = 100000
RULE_DIM = 64
BATCH = 4096
NUM_ACTIVE = 26


def setup_inputs(seed: int = 0) -> dict:
    key = jax.random.key(seed)
    k_idx, k_rules = jax.random.split(key)
    rule_indices = jax.random.randint(k_idx, (BATCH, NUM_ACTIVE), 0, NUM_RULES, dtype=jnp.int64 if jax.config.jax_enable_x64 else jnp.int32)
    rules = jax.random.normal(k_rules, (NUM_RULES, RULE_DIM), dtype=jnp.float32) * 0.02
    return {"rule_indices": rule_indices, "rules": rules}


def reference(rule_indices, rules):
    # Faithful translation of SymbolicRuleBank.forward: self.rules[rule_indices]
    # gather rows from the learned rule table -> (batch, num_active_rules, rule_dim)
    return jnp.take(rules, rule_indices, axis=0)

if __name__ == "__main__":
    import jax
    _d = setup_inputs()
    print(jax.jit(kernel)(*tuple(_d.values())))

</pallas_src>

<mosaic_0001>
#map = affine_map<(d0, d1) -> (0, 0)>
#map1 = affine_map<(d0, d1) -> (0, 0, 0)>
module attributes {stable_mosaic.version = 14 : i64} {
  func.func @_tgather(%arg0: i32, %arg1: i32, %arg2: memref<64x100000xf32, #tpu.memory_space<hbm>>, %arg3: memref<26x4096xi32, #tpu.memory_space<hbm>>, %arg4: memref<26x64x4096xf32, #tpu.memory_space<hbm>>, %arg5: memref<100000xf32, #tpu.memory_space<vmem>>, %arg6: memref<2x4096xi32, #tpu.memory_space<vmem>>, %arg7: memref<2x4096xf32, #tpu.memory_space<vmem>>, %arg8: memref<!tpu.dma_semaphore, #tpu.memory_space<semaphore_mem>>, %arg9: memref<!tpu.dma_semaphore, #tpu.memory_space<semaphore_mem>>, %arg10: memref<!tpu.dma_semaphore, #tpu.memory_space<semaphore_mem>>) attributes {dimension_semantics = [#tpu.dimension_semantics<core_parallel>, #tpu.dimension_semantics<subcore_parallel>], iteration_bounds = array<i64: 2, 16>, scalar_prefetch = 0 : i64, scratch_operands = 6 : i64, tpu.core_type = #tpu.core_type<sc_vector_subcore>, window_params = [{transform_indices = #map}, {transform_indices = #map}, {transform_indices = #map1}]} {
    %mul3A = arith.constant 32 : i32
    %mul3A_0 = arith.muli %arg0, %mul3A : i32
    %add3A = arith.constant 0 : i32
    %add3A_1 = arith.addi %mul3A_0, %add3A : i32
    %add3A_2 = arith.addi %add3A_1, %arg1 : i32
    %dma_start3A = arith.constant 0 : i32
    %dma_start3A_3 = tpu.memref_slice %arg2[%add3A_2, %dma_start3A] : memref<64x100000xf32, #tpu.memory_space<hbm>> -> memref<1x100000xf32, #tpu.memory_space<hbm>>
    %dma_start3A_4 = tpu.memref_squeeze %dma_start3A_3 : memref<1x100000xf32, #tpu.memory_space<hbm>> -> memref<100000xf32, #tpu.memory_space<hbm>>
    %dma_start3A_5 = arith.constant 0 : i32
    %dma_start3A_6 = tpu.memref_slice %arg2[%add3A_2, %dma_start3A_5] : memref<64x100000xf32, #tpu.memory_space<hbm>> -> memref<1x100000xf32, #tpu.memory_space<hbm>>
    %dma_start3A_7 = tpu.memref_squeeze %dma_start3A_6 : memref<1x100000xf32, #tpu.memory_space<hbm>> -> memref<100000xf32, #tpu.memory_space<hbm>>
    tpu.enqueue_dma source(%dma_start3A_7 : memref<100000xf32, #tpu.memory_space<hbm>>) target(%arg5 : memref<100000xf32, #tpu.memory_space<vmem>>) target_semaphore(%arg8 : memref<!tpu.dma_semaphore, #tpu.memory_space<semaphore_mem>>)
    %dma_wait3A = arith.constant 0 : i32
    %dma_wait3A_8 = tpu.memref_slice %arg2[%add3A_2, %dma_wait3A] : memref<64x100000xf32, #tpu.memory_space<hbm>> -> memref<1x100000xf32, #tpu.memory_space<hbm>>
    %dma_wait3A_9 = tpu.memref_squeeze %dma_wait3A_8 : memref<1x100000xf32, #tpu.memory_space<hbm>> -> memref<100000xf32, #tpu.memory_space<hbm>>
    %dma_wait3A_10 = arith.constant 0 : i32
    %dma_wait3A_11 = tpu.memref_slice %arg2[%add3A_2, %dma_wait3A_10] : memref<64x100000xf32, #tpu.memory_space<hbm>> -> memref<1x100000xf32, #tpu.memory_space<hbm>>
    %dma_wait3A_12 = tpu.memref_squeeze %dma_wait3A_11 : memref<1x100000xf32, #tpu.memory_space<hbm>> -> memref<100000xf32, #tpu.memory_space<hbm>>
    tpu.wait_dma2 semaphore(%arg8 : memref<!tpu.dma_semaphore, #tpu.memory_space<semaphore_mem>>) src(%dma_wait3A_12 : memref<100000xf32, #tpu.memory_space<hbm>>) dst(%arg5 : memref<100000xf32, #tpu.memory_space<vmem>>)
    %dma_start3A_13 = arith.constant 0 : i32
    %dma_start3A_14 = arith.constant 0 : i32
    %dma_start3A_15 = arith.constant 0 : i32
    %dma_start3A_16 = tpu.memref_slice %arg6[%dma_start3A_14, %dma_start3A_15] : memref<2x4096xi32, #tpu.memory_space<vmem>> -> memref<1x4096xi32, #tpu.memory_space<vmem>>
    %dma_start3A_17 = tpu.memref_squeeze %dma_start3A_16 : memref<1x4096xi32, #tpu.memory_space<vmem>> -> memref<4096xi32, #tpu.memory_space<vmem>>
    %dma_start3A_18 = arith.constant 0 : i32
    %dma_start3A_19 = tpu.memref_slice %arg3[%dma_start3A_13, %dma_start3A_18] : memref<26x4096xi32, #tpu.memory_space<hbm>> -> memref<1x4096xi32, #tpu.memory_space<hbm>>
    %dma_start3A_20 = tpu.memref_squeeze %dma_start3A_19 : memref<1x4096xi32, #tpu.memory_space<hbm>> -> memref<4096xi32, #tpu.memory_space<hbm>>
    %dma_start3A_21 = arith.constant 0 : i32
    %dma_start3A_22 = tpu.memref_slice %arg6[%dma_start3A_14, %dma_start3A_21] : memref<2x4096xi32, #tpu.memory_space<vmem>> -> memref<1x4096xi32, #tpu.memory_space<vmem>>
    %dma_start3A_23 = tpu.memref_squeeze %dma_start3A_22 : memref<1x4096xi32, #tpu.memory_space<vmem>> -> memref<4096xi32, #tpu.memory_space<vmem>>
    %dma_start3A_24 = arith.constant 0 : i32
    %dma_start3A_25 = tpu.memref_slice %arg3[%dma_start3A_13, %dma_start3A_24] : memref<26x4096xi32, #tpu.memory_space<hbm>> -> memref<1x4096xi32, #tpu.memory_space<hbm>>
    %dma_start3A_26 = tpu.memref_squeeze %dma_start3A_25 : memref<1x4096xi32, #tpu.memory_space<hbm>> -> memref<4096xi32, #tpu.memory_space<hbm>>
    tpu.enqueue_dma source(%dma_start3A_26 : memref<4096xi32, #tpu.memory_space<hbm>>) target(%dma_start3A_23 : memref<4096xi32, #tpu.memory_space<vmem>>) target_semaphore(%arg9 : memref<!tpu.dma_semaphore, #tpu.memory_space<semaphore_mem>>)
    %scan3A = arith.constant 0 : i32
    %scan3A_27 = arith.constant 13 : i32
    %scan3A_28 = arith.addi %scan3A, %scan3A_27 : i32
    %scan3A_29 = arith.constant 1 : i32
    scf.for %scan3A_123 = %scan3A to %scan3A_28 step %scan3A_29  : i32 {
      %mul3A_124 = arith.constant 2 : i32
      %mul3A_125 = arith.muli %mul3A_124, %scan3A_123 : i32
      %dma_wait3A_126 = arith.constant 0 : i32
      %dma_wait3A_127 = arith.constant 0 : i32
      %dma_wait3A_128 = tpu.memref_slice %arg6[%dma_wait3A_126, %dma_wait3A_127] : memref<2x4096xi32, #tpu.memory_space<vmem>> -> memref<1x4096xi32, #tpu.memory_space<vmem>>
      %dma_wait3A_129 = tpu.memref_squeeze %dma_wait3A_128 : memref<1x4096xi32, #tpu.memory_space<vmem>> -> memref<4096xi32, #tpu.memory_space<vmem>>
      %dma_wait3A_130 = arith.constant 0 : i32
      %dma_wait3A_131 = tpu.memref_slice %arg3[%mul3A_125, %dma_wait3A_130] : memref<26x4096xi32, #tpu.memory_space<hbm>> -> memref<1x4096xi32, #tpu.memory_space<hbm>>
      %dma_wait3A_132 = tpu.memref_squeeze %dma_wait3A_131 : memref<1x4096xi32, #tpu.memory_space<hbm>> -> memref<4096xi32, #tpu.memory_space<hbm>>
      %dma_wait3A_133 = arith.constant 0 : i32
      %dma_wait3A_134 = tpu.memref_slice %arg6[%dma_wait3A_126, %dma_wait3A_133] : memref<2x4096xi32, #tpu.memory_space<vmem>> -> memref<1x4096xi32, #tpu.memory_space<vmem>>
      %dma_wait3A_135 = tpu.memref_squeeze %dma_wait3A_134 : memref<1x4096xi32, #tpu.memory_space<vmem>> -> memref<4096xi32, #tpu.memory_space<vmem>>
      %dma_wait3A_136 = arith.constant 0 : i32
      %dma_wait3A_137 = tpu.memref_slice %arg3[%mul3A_125, %dma_wait3A_136] : memref<26x4096xi32, #tpu.memory_space<hbm>> -> memref<1x4096xi32, #tpu.memory_space<hbm>>
      %dma_wait3A_138 = tpu.memref_squeeze %dma_wait3A_137 : memref<1x4096xi32, #tpu.memory_space<hbm>> -> memref<4096xi32, #tpu.memory_space<hbm>>
      tpu.wait_dma2 semaphore(%arg9 : memref<!tpu.dma_semaphore, #tpu.memory_space<semaphore_mem>>) src(%dma_wait3A_138 : memref<4096xi32, #tpu.memory_space<hbm>>) dst(%dma_wait3A_135 : memref<4096xi32, #tpu.memory_space<vmem>>)
      %add3A_139 = arith.constant 1 : i32
      %add3A_140 = arith.addi %mul3A_125, %add3A_139 : i32
      %lt3A = arith.constant 26 : i32
      %lt3A_141 = arith.cmpi slt, %add3A_140, %lt3A : i32
      %convert_element_type3A = arith.extui %lt3A_141 : i1 to i32
      %cond3A = arith.constant 0 : i32
      %cond3A_142 = arith.cmpi ne, %convert_element_type3A, %cond3A : i32
      scf.if %cond3A_142 {
        %add3A_207 = arith.constant 1 : i32
        %add3A_208 = arith.addi %mul3A_125, %add3A_207 : i32
        %dma_start3A_209 = arith.constant 1 : i32
        %dma_start3A_210 = arith.constant 0 : i32
        %dma_start3A_211 = tpu.memref_slice %arg6[%dma_start3A_209, %dma_start3A_210] : memref<2x4096xi32, #tpu.memory_space<vmem>> -> memref<1x4096xi32, #tpu.memory_space<vmem>>
        %dma_start3A_212 = tpu.memref_squeeze %dma_start3A_211 : memref<1x4096xi32, #tpu.memory_space<vmem>> -> memref<4096xi32, #tpu.memory_space<vmem>>
        %dma_start3A_213 = arith.constant 0 : i32
        %dma_start3A_214 = tpu.memref_slice %arg3[%add3A_208, %dma_start3A_213] : memref<26x4096xi32, #tpu.memory_space<hbm>> -> memref<1x4096xi32, #tpu.memory_space<hbm>>
        %dma_start3A_215 = tpu.memref_squeeze %dma_start3A_214 : memref<1x4096xi32, #tpu.memory_space<hbm>> -> memref<4096xi32, #tpu.memory_space<hbm>>
        %dma_start3A_216 = arith.constant 0 : i32
        %dma_start3A_217 = tpu.memref_slice %arg6[%dma_start3A_209, %dma_start3A_216] : memref<2x4096xi32, #tpu.memory_space<vmem>> -> memref<1x4096xi32, #tpu.memory_space<vmem>>
        %dma_start3A_218 = tpu.memref_squeeze %dma_start3A_217 : memref<1x4096xi32, #tpu.memory_space<vmem>> -> memref<4096xi32, #tpu.memory_space<vmem>>
        %dma_start3A_219 = arith.constant 0 : i32
        %dma_start3A_220 = tpu.memref_slice %arg3[%add3A_208, %dma_start3A_219] : memref<26x4096xi32, #tpu.memory_space<hbm>> -> memref<1x4096xi32, #tpu.memory_space<hbm>>
        %dma_start3A_221 = tpu.memref_squeeze %dma_start3A_220 : memref<1x4096xi32, #tpu.memory_space<hbm>> -> memref<4096xi32, #tpu.memory_space<hbm>>
        tpu.enqueue_dma source(%dma_start3A_221 : memref<4096xi32, #tpu.memory_space<hbm>>) target(%dma_start3A_218 : memref<4096xi32, #tpu.memory_space<vmem>>) target_semaphore(%arg9 : memref<!tpu.dma_semaphore, #tpu.memory_space<semaphore_mem>>)
      } else {
      }
      %ge3A = arith.constant 2 : i32
      %ge3A_143 = arith.cmpi sge, %mul3A_125, %ge3A : i32
      %convert_element_type3A_144 = arith.extui %ge3A_143 : i1 to i32
      %cond3A_145 = arith.constant 0 : i32
      %cond3A_146 = arith.cmpi ne, %convert_element_type3A_144, %cond3A_145 : i32
      scf.if %cond3A_146 {
        %sub3A = arith.constant 2 : i32
        %sub3A_207 = arith.subi %mul3A_125, %sub3A : i32
        %dma_wait3A_208 = arith.constant 0 : i32
        %dma_wait3A_209 = arith.constant 0 : i32
        %dma_wait3A_210 = tpu.memref_slice %arg7[%dma_wait3A_208, %dma_wait3A_209] : memref<2x4096xf32, #tpu.memory_space<vmem>> -> memref<1x4096xf32, #tpu.memory_space<vmem>>
        %dma_wait3A_211 = tpu.memref_squeeze %dma_wait3A_210 : memref<1x4096xf32, #tpu.memory_space<vmem>> -> memref<4096xf32, #tpu.memory_space<vmem>>
        %dma_wait3A_212 = arith.constant 0 : i32
        %dma_wait3A_213 = tpu.memref_slice %arg4[%sub3A_207, %add3A_2, %dma_wait3A_212] : memref<26x64x4096xf32, #tpu.memory_space<hbm>> -> memref<1x1x4096xf32, #tpu.memory_space<hbm>>
        %dma_wait3A_214 = tpu.memref_squeeze %dma_wait3A_213 : memref<1x1x4096xf32, #tpu.memory_space<hbm>> -> memref<4096xf32, #tpu.memory_space<hbm>>
        %dma_wait3A_215 = arith.constant 0 : i32
        %dma_wait3A_216 = tpu.memref_slice %arg4[%sub3A_207, %add3A_2, %dma_wait3A_215] : memref<26x64x4096xf32, #tpu.memory_space<hbm>> -> memref<1x1x4096xf32, #tpu.memory_space<hbm>>
        %dma_wait3A_217 = tpu.memref_squeeze %dma_wait3A_216 : memref<1x1x4096xf32, #tpu.memory_space<hbm>> -> memref<4096xf32, #tpu.memory_space<hbm>>
        %dma_wait3A_218 = arith.constant 0 : i32
        %dma_wait3A_219 = tpu.memref_slice %arg7[%dma_wait3A_208, %dma_wait3A_218] : memref<2x4096xf32, #tpu.memory_space<vmem>> -> memref<1x4096xf32, #tpu.memory_space<vmem>>
        %dma_wait3A_220 = tpu.memref_squeeze %dma_wait3A_219 : memref<1x4096xf32, #tpu.memory_space<vmem>> -> memref<4096xf32, #tpu.memory_space<vmem>>
        tpu.wait_dma2 semaphore(%arg10 : memref<!tpu.dma_semaphore, #tpu.memory_space<semaphore_mem>>) src(%dma_wait3A_220 : memref<4096xf32, #tpu.memory_space<vmem>>) dst(%dma_wait3A_217 : memref<4096xf32, #tpu.memory_space<hbm>>)
      } else {
      }
      %parallel_loop3A = arith.constant 0 : i32
      %parallel_loop3A_147 = arith.constant 16 : i32
      %parallel_loop3A_148 = arith.constant 16 : i32
      scf.for %parallel_loop3A_207 = %parallel_loop3A to %parallel_loop3A_147 step %parallel_loop3A_148  : i32 {
        %parallel_loop3A_208 = arith.constant 0 : i32
        %parallel_loop3A_209 = arith.index_cast %parallel_loop3A_208 : i32 to index
        %parallel_loop3A_210 = arith.index_cast %parallel_loop3A_207 : i32 to index
        %parallel_loop3A_211 = tpu.vector_load %arg6[%parallel_loop3A_209, %parallel_loop3A_210] {strides = array<i32>} : memref<2x4096xi32, #tpu.memory_space<vmem>>, vector<16xi32>,
        %parallel_loop3A_212 = tpu.vector_load_idx %arg5[%parallel_loop3A_211] : memref<100000xf32, #tpu.memory_space<vmem>>[vector<16xi32>], vector<16xf32>,
        %parallel_loop3A_213 = arith.constant 0 : i32
        %parallel_loop3A_214 = arith.index_cast %parallel_loop3A_213 : i32 to index
        %parallel_loop3A_215 = arith.index_cast %parallel_loop3A_207 : i32 to index
        %parallel_loop3A_216 = tpu.vector_load %arg7[%parallel_loop3A_214, %parallel_loop3A_215] {strides = array<i32>} : memref<2x4096xf32, #tpu.memory_space<vmem>>, vector<16xf32>,
        tpu.vector_store %arg7[%parallel_loop3A_214, %parallel_loop3A_215], %parallel_loop3A_212 {strides = array<i32>} : memref<2x4096xf32, #tpu.memory_space<vmem>>, vector<16xf32>,
      } {sc.loop_unroll_factor = 1 : i64, sc.parallel_access}
      %dma_start3A_149 = arith.constant 0 : i32
      %dma_start3A_150 = arith.constant 0 : i32
      %dma_start3A_151 = tpu.memref_slice %arg7[%dma_start3A_149, %dma_start3A_150] : memref<2x4096xf32, #tpu.memory_space<vmem>> -> memref<1x4096xf32, #tpu.memory_space<vmem>>
      %dma_start3A_152 = tpu.memref_squeeze %dma_start3A_151 : memref<1x4096xf32, #tpu.memory_space<vmem>> -> memref<4096xf32, #tpu.memory_space<vmem>>
      %dma_start3A_153 = arith.constant 0 : i32
      %dma_start3A_154 = tpu.memref_slice %arg4[%mul3A_125, %add3A_2, %dma_start3A_153] : memref<26x64x4096xf32, #tpu.memory_space<hbm>> -> memref<1x1x4096xf32, #tpu.memory_space<hbm>>
      %dma_start3A_155 = tpu.memref_squeeze %dma_start3A_154 : memref<1x1x4096xf32, #tpu.memory_space<hbm>> -> memref<4096xf32, #tpu.memory_space<hbm>>
      %dma_start3A_156 = arith.constant 0 : i32
      %dma_start3A_157 = tpu.memref_slice %arg4[%mul3A_125, %add3A_2, %dma_start3A_156] : memref<26x64x4096xf32, #tpu.memory_space<hbm>> -> memref<1x1x4096xf32, #tpu.memory_space<hbm>>
      %dma_start3A_158 = tpu.memref_squeeze %dma_start3A_157 : memref<1x1x4096xf32, #tpu.memory_space<hbm>> -> memref<4096xf32, #tpu.memory_space<hbm>>
      %dma_start3A_159 = arith.constant 0 : i32
      %dma_start3A_160 = tpu.memref_slice %arg7[%dma_start3A_149, %dma_start3A_159] : memref<2x4096xf32, #tpu.memory_space<vmem>> -> memref<1x4096xf32, #tpu.memory_space<vmem>>
      %dma_start3A_161 = tpu.memref_squeeze %dma_start3A_160 : memref<1x4096xf32, #tpu.memory_space<vmem>> -> memref<4096xf32, #tpu.memory_space<vmem>>
      tpu.enqueue_dma source(%dma_start3A_161 : memref<4096xf32, #tpu.memory_space<vmem>>) target(%dma_start3A_158 : memref<4096xf32, #tpu.memory_space<hbm>>) target_semaphore(%arg10 : memref<!tpu.dma_semaphore, #tpu.memory_space<semaphore_mem>>)
      %mul3A_162 = arith.constant 2 : i32
      %mul3A_163 = arith.muli %mul3A_162, %scan3A_123 : i32
      %add3A_164 = arith.constant 1 : i32
      %add3A_165 = arith.addi %mul3A_163, %add3A_164 : i32
      %dma_wait3A_166 = arith.constant 1 : i32
      %dma_wait3A_167 = arith.constant 0 : i32
      %dma_wait3A_168 = tpu.memref_slice %arg6[%dma_wait3A_166, %dma_wait3A_167] : memref<2x4096xi32, #tpu.memory_space<vmem>> -> memref<1x4096xi32, #tpu.memory_space<vmem>>
      %dma_wait3A_169 = tpu.memref_squeeze %dma_wait3A_168 : memref<1x4096xi32, #tpu.memory_space<vmem>> -> memref<4096xi32, #tpu.memory_space<vmem>>
      %dma_wait3A_170 = arith.constant 0 : i32
      %dma_wait3A_171 = tpu.memref_slice %arg3[%add3A_165, %dma_wait3A_170] : memref<26x4096xi32, #tpu.memory_space<hbm>> -> memref<1x4096xi32, #tpu.memory_space<hbm>>
      %dma_wait3A_172 = tpu.memref_squeeze %dma_wait3A_171 : memref<1x4096xi32, #tpu.memory_space<hbm>> -> memref<4096xi32, #tpu.memory_space<hbm>>
      %dma_wait3A_173 = arith.constant 0 : i32
      %dma_wait3A_174 = tpu.memref_slice %arg6[%dma_wait3A_166, %dma_wait3A_173] : memref<2x4096xi32, #tpu.memory_space<vmem>> -> memref<1x4096xi32, #tpu.memory_space<vmem>>
      %dma_wait3A_175 = tpu.memref_squeeze %dma_wait3A_174 : memref<1x4096xi32, #tpu.memory_space<vmem>> -> memref<4096xi32, #tpu.memory_space<vmem>>
      %dma_wait3A_176 = arith.constant 0 : i32
      %dma_wait3A_177 = tpu.memref_slice %arg3[%add3A_165, %dma_wait3A_176] : memref<26x4096xi32, #tpu.memory_space<hbm>> -> memref<1x4096xi32, #tpu.memory_space<hbm>>
      %dma_wait3A_178 = tpu.memref_squeeze %dma_wait3A_177 : memref<1x4096xi32, #tpu.memory_space<hbm>> -> memref<4096xi32, #tpu.memory_space<hbm>>
      tpu.wait_dma2 semaphore(%arg9 : memref<!tpu.dma_semaphore, #tpu.memory_space<semaphore_mem>>) src(%dma_wait3A_178 : memref<4096xi32, #tpu.memory_space<hbm>>) dst(%dma_wait3A_175 : memref<4096xi32, #tpu.memory_space<vmem>>)
      %add3A_179 = arith.constant 1 : i32
      %add3A_180 = arith.addi %add3A_165, %add3A_179 : i32
      %lt3A_181 = arith.constant 26 : i32
      %lt3A_182 = arith.cmpi slt, %add3A_180, %lt3A_181 : i32
      %convert_element_type3A_183 = arith.extui %lt3A_182 : i1 to i32
      %cond3A_184 = arith.constant 0 : i32
      %cond3A_185 = arith.cmpi ne, %convert_element_type3A_183, %cond3A_184 : i32
      scf.if %cond3A_185 {
        %add3A_207 = arith.constant 1 : i32
        %add3A_208 = arith.addi %add3A_165, %add3A_207 : i32
        %dma_start3A_209 = arith.constant 0 : i32
        %dma_start3A_210 = arith.constant 0 : i32
        %dma_start3A_211 = tpu.memref_slice %arg6[%dma_start3A_209, %dma_start3A_210] : memref<2x4096xi32, #tpu.memory_space<vmem>> -> memref<1x4096xi32, #tpu.memory_space<vmem>>
        %dma_start3A_212 = tpu.memref_squeeze %dma_start3A_211 : memref<1x4096xi32, #tpu.memory_space<vmem>> -> memref<4096xi32, #tpu.memory_space<vmem>>
        %dma_start3A_213 = arith.constant 0 : i32
        %dma_start3A_214 = tpu.memref_slice %arg3[%add3A_208, %dma_start3A_213] : memref<26x4096xi32, #tpu.memory_space<hbm>> -> memref<1x4096xi32, #tpu.memory_space<hbm>>
        %dma_start3A_215 = tpu.memref_squeeze %dma_start3A_214 : memref<1x4096xi32, #tpu.memory_space<hbm>> -> memref<4096xi32, #tpu.memory_space<hbm>>
        %dma_start3A_216 = arith.constant 0 : i32
        %dma_start3A_217 = tpu.memref_slice %arg6[%dma_start3A_209, %dma_start3A_216] : memref<2x4096xi32, #tpu.memory_space<vmem>> -> memref<1x4096xi32, #tpu.memory_space<vmem>>
        %dma_start3A_218 = tpu.memref_squeeze %dma_start3A_217 : memref<1x4096xi32, #tpu.memory_space<vmem>> -> memref<4096xi32, #tpu.memory_space<vmem>>
        %dma_start3A_219 = arith.constant 0 : i32
        %dma_start3A_220 = tpu.memref_slice %arg3[%add3A_208, %dma_start3A_219] : memref<26x4096xi32, #tpu.memory_space<hbm>> -> memref<1x4096xi32, #tpu.memory_space<hbm>>
        %dma_start3A_221 = tpu.memref_squeeze %dma_start3A_220 : memref<1x4096xi32, #tpu.memory_space<hbm>> -> memref<4096xi32, #tpu.memory_space<hbm>>
        tpu.enqueue_dma source(%dma_start3A_221 : memref<4096xi32, #tpu.memory_space<hbm>>) target(%dma_start3A_218 : memref<4096xi32, #tpu.memory_space<vmem>>) target_semaphore(%arg9 : memref<!tpu.dma_semaphore, #tpu.memory_space<semaphore_mem>>)
      } else {
      }
      %ge3A_186 = arith.constant 2 : i32
      %ge3A_187 = arith.cmpi sge, %add3A_165, %ge3A_186 : i32
      %convert_element_type3A_188 = arith.extui %ge3A_187 : i1 to i32
      %cond3A_189 = arith.constant 0 : i32
      %cond3A_190 = arith.cmpi ne, %convert_element_type3A_188, %cond3A_189 : i32
      scf.if %cond3A_190 {
        %sub3A = arith.constant 2 : i32
        %sub3A_207 = arith.subi %add3A_165, %sub3A : i32
        %dma_wait3A_208 = arith.constant 1 : i32
        %dma_wait3A_209 = arith.constant 0 : i32
        %dma_wait3A_210 = tpu.memref_slice %arg7[%dma_wait3A_208, %dma_wait3A_209] : memref<2x4096xf32, #tpu.memory_space<vmem>> -> memref<1x4096xf32, #tpu.memory_space<vmem>>
        %dma_wait3A_211 = tpu.memref_squeeze %dma_wait3A_210 : memref<1x4096xf32, #tpu.memory_space<vmem>> -> memref<4096xf32, #tpu.memory_space<vmem>>
        %dma_wait3A_212 = arith.constant 0 : i32
        %dma_wait3A_213 = tpu.memref_slice %arg4[%sub3A_207, %add3A_2, %dma_wait3A_212] : memref<26x64x4096xf32, #tpu.memory_space<hbm>> -> memref<1x1x4096xf32, #tpu.memory_space<hbm>>
        %dma_wait3A_214 = tpu.memref_squeeze %dma_wait3A_213 : memref<1x1x4096xf32, #tpu.memory_space<hbm>> -> memref<4096xf32, #tpu.memory_space<hbm>>
        %dma_wait3A_215 = arith.constant 0 : i32
        %dma_wait3A_216 = tpu.memref_slice %arg4[%sub3A_207, %add3A_2, %dma_wait3A_215] : memref<26x64x4096xf32, #tpu.memory_space<hbm>> -> memref<1x1x4096xf32, #tpu.memory_space<hbm>>
        %dma_wait3A_217 = tpu.memref_squeeze %dma_wait3A_216 : memref<1x1x4096xf32, #tpu.memory_space<hbm>> -> memref<4096xf32, #tpu.memory_space<hbm>>
        %dma_wait3A_218 = arith.constant 0 : i32
        %dma_wait3A_219 = tpu.memref_slice %arg7[%dma_wait3A_208, %dma_wait3A_218] : memref<2x4096xf32, #tpu.memory_space<vmem>> -> memref<1x4096xf32, #tpu.memory_space<vmem>>
        %dma_wait3A_220 = tpu.memref_squeeze %dma_wait3A_219 : memref<1x4096xf32, #tpu.memory_space<vmem>> -> memref<4096xf32, #tpu.memory_space<vmem>>
        tpu.wait_dma2 semaphore(%arg10 : memref<!tpu.dma_semaphore, #tpu.memory_space<semaphore_mem>>) src(%dma_wait3A_220 : memref<4096xf32, #tpu.memory_space<vmem>>) dst(%dma_wait3A_217 : memref<4096xf32, #tpu.memory_space<hbm>>)
      } else {
      }
      %parallel_loop3A_191 = arith.constant 0 : i32
      %parallel_loop3A_192 = arith.constant 16 : i32
      %parallel_loop3A_193 = arith.constant 16 : i32
      scf.for %parallel_loop3A_207 = %parallel_loop3A_191 to %parallel_loop3A_192 step %parallel_loop3A_193  : i32 {
        %parallel_loop3A_208 = arith.constant 1 : i32
        %parallel_loop3A_209 = arith.index_cast %parallel_loop3A_208 : i32 to index
        %parallel_loop3A_210 = arith.index_cast %parallel_loop3A_207 : i32 to index
        %parallel_loop3A_211 = tpu.vector_load %arg6[%parallel_loop3A_209, %parallel_loop3A_210] {strides = array<i32>} : memref<2x4096xi32, #tpu.memory_space<vmem>>, vector<16xi32>,
        %parallel_loop3A_212 = tpu.vector_load_idx %arg5[%parallel_loop3A_211] : memref<100000xf32, #tpu.memory_space<vmem>>[vector<16xi32>], vector<16xf32>,
        %parallel_loop3A_213 = arith.constant 1 : i32
        %parallel_loop3A_214 = arith.index_cast %parallel_loop3A_213 : i32 to index
        %parallel_loop3A_215 = arith.index_cast %parallel_loop3A_207 : i32 to index
        %parallel_loop3A_216 = tpu.vector_load %arg7[%parallel_loop3A_214, %parallel_loop3A_215] {strides = array<i32>} : memref<2x4096xf32, #tpu.memory_space<vmem>>, vector<16xf32>,
        tpu.vector_store %arg7[%parallel_loop3A_214, %parallel_loop3A_215], %parallel_loop3A_212 {strides = array<i32>} : memref<2x4096xf32, #tpu.memory_space<vmem>>, vector<16xf32>,
      } {sc.loop_unroll_factor = 1 : i64, sc.parallel_access}
      %dma_start3A_194 = arith.constant 1 : i32
      %dma_start3A_195 = arith.constant 0 : i32
      %dma_start3A_196 = tpu.memref_slice %arg7[%dma_start3A_194, %dma_start3A_195] : memref<2x4096xf32, #tpu.memory_space<vmem>> -> memref<1x4096xf32, #tpu.memory_space<vmem>>
      %dma_start3A_197 = tpu.memref_squeeze %dma_start3A_196 : memref<1x4096xf32, #tpu.memory_space<vmem>> -> memref<4096xf32, #tpu.memory_space<vmem>>
      %dma_start3A_198 = arith.constant 0 : i32
      %dma_start3A_199 = tpu.memref_slice %arg4[%add3A_165, %add3A_2, %dma_start3A_198] : memref<26x64x4096xf32, #tpu.memory_space<hbm>> -> memref<1x1x4096xf32, #tpu.memory_space<hbm>>
      %dma_start3A_200 = tpu.memref_squeeze %dma_start3A_199 : memref<1x1x4096xf32, #tpu.memory_space<hbm>> -> memref<4096xf32, #tpu.memory_space<hbm>>
      %dma_start3A_201 = arith.constant 0 : i32
      %dma_start3A_202 = tpu.memref_slice %arg4[%add3A_165, %add3A_2, %dma_start3A_201] : memref<26x64x4096xf32, #tpu.memory_space<hbm>> -> memref<1x1x4096xf32, #tpu.memory_space<hbm>>
      %dma_start3A_203 = tpu.memref_squeeze %dma_start3A_202 : memref<1x1x4096xf32, #tpu.memory_space<hbm>> -> memref<4096xf32, #tpu.memory_space<hbm>>
      %dma_start3A_204 = arith.constant 0 : i32
      %dma_start3A_205 = tpu.memref_slice %arg7[%dma_start3A_194, %dma_start3A_204] : memref<2x4096xf32, #tpu.memory_space<vmem>> -> memref<1x4096xf32, #tpu.memory_space<vmem>>
      %dma_start3A_206 = tpu.memref_squeeze %dma_start3A_205 : memref<1x4096xf32, #tpu.memory_space<vmem>> -> memref<4096xf32, #tpu.memory_space<vmem>>
      tpu.enqueue_dma source(%dma_start3A_206 : memref<4096xf32, #tpu.memory_space<vmem>>) target(%dma_start3A_203 : memref<4096xf32, #tpu.memory_space<hbm>>) target_semaphore(%arg10 : memref<!tpu.dma_semaphore, #tpu.memory_space<semaphore_mem>>)
    }
    %scan3A_30 = arith.constant 13 : i32
    %dma_wait3A_31 = arith.constant 0 : i32
    %dma_wait3A_32 = arith.constant 24 : i32
    %dma_wait3A_33 = arith.constant 0 : i32
    %dma_wait3A_34 = tpu.memref_slice %arg7[%dma_wait3A_31, %dma_wait3A_33] : memref<2x4096xf32, #tpu.memory_space<vmem>> -> memref<1x4096xf32, #tpu.memory_space<vmem>>
    %dma_wait3A_35 = tpu.memref_squeeze %dma_wait3A_34 : memref<1x4096xf32, #tpu.memory_space<vmem>> -> memref<4096xf32, #tpu.memory_space<vmem>>
    %dma_wait3A_36 = arith.constant 0 : i32
    %dma_wait3A_37 = tpu.memref_slice %arg4[%dma_wait3A_32, %add3A_2, %dma_wait3A_36] : memref<26x64x4096xf32, #tpu.memory_space<hbm>> -> memref<1x1x4096xf32, #tpu.memory_space<hbm>>
    %dma_wait3A_38 = tpu.memref_squeeze %dma_wait3A_37 : memref<1x1x4096xf32, #tpu.memory_space<hbm>> -> memref<4096xf32, #tpu.memory_space<hbm>>
    %dma_wait3A_39 = arith.constant 0 : i32
    %dma_wait3A_40 = tpu.memref_slice %arg4[%dma_wait3A_32, %add3A_2, %dma_wait3A_39] : memref<26x64x4096xf32, #tpu.memory_space<hbm>> -> memref<1x1x4096xf32, #tpu.memory_space<hbm>>
    %dma_wait3A_41 = tpu.memref_squeeze %dma_wait3A_40 : memref<1x1x4096xf32, #tpu.memory_space<hbm>> -> memref<4096xf32, #tpu.memory_space<hbm>>
    %dma_wait3A_42 = arith.constant 0 : i32
    %dma_wait3A_43 = tpu.memref_slice %arg7[%dma_wait3A_31, %dma_wait3A_42] : memref<2x4096xf32, #tpu.memory_space<vmem>> -> memref<1x4096xf32, #tpu.memory_space<vmem>>
    %dma_wait3A_44 = tpu.memref_squeeze %dma_wait3A_43 : memref<1x4096xf32, #tpu.memory_space<vmem>> -> memref<4096xf32, #tpu.memory_space<vmem>>
    tpu.wait_dma2 semaphore(%arg10 : memref<!tpu.dma_semaphore, #tpu.memory_space<semaphore_mem>>) src(%dma_wait3A_44 : memref<4096xf32, #tpu.memory_space<vmem>>) dst(%dma_wait3A_41 : memref<4096xf32, #tpu.memory_space<hbm>>)
    %dma_wait3A_45 = arith.constant 1 : i32
    %dma_wait3A_46 = arith.constant 25 : i32
    %dma_wait3A_47 = arith.constant 0 : i32
    %dma_wait3A_48 = tpu.memref_slice %arg7[%dma_wait3A_45, %dma_wait3A_47] : memref<2x4096xf32, #tpu.memory_space<vmem>> -> memref<1x4096xf32, #tpu.memory_space<vmem>>
    %dma_wait3A_49 = tpu.memref_squeeze %dma_wait3A_48 : memref<1x4096xf32, #tpu.memory_space<vmem>> -> memref<4096xf32, #tpu.memory_space<vmem>>
    %dma_wait3A_50 = arith.constant 0 : i32
    %dma_wait3A_51 = tpu.memref_slice %arg4[%dma_wait3A_46, %add3A_2, %dma_wait3A_50] : memref<26x64x4096xf32, #tpu.memory_space<hbm>> -> memref<1x1x4096xf32, #tpu.memory_space<hbm>>
    %dma_wait3A_52 = tpu.memref_squeeze %dma_wait3A_51 : memref<1x1x4096xf32, #tpu.memory_space<hbm>> -> memref<4096xf32, #tpu.memory_space<hbm>>
    %dma_wait3A_53 = arith.constant 0 : i32
    %dma_wait3A_54 = tpu.memref_slice %arg4[%dma_wait3A_46, %add3A_2, %dma_wait3A_53] : memref<26x64x4096xf32, #tpu.memory_space<hbm>> -> memref<1x1x4096xf32, #tpu.memory_space<hbm>>
    %dma_wait3A_55 = tpu.memref_squeeze %dma_wait3A_54 : memref<1x1x4096xf32, #tpu.memory_space<hbm>> -> memref<4096xf32, #tpu.memory_space<hbm>>
    %dma_wait3A_56 = arith.constant 0 : i32
    %dma_wait3A_57 = tpu.memref_slice %arg7[%dma_wait3A_45, %dma_wait3A_56] : memref<2x4096xf32, #tpu.memory_space<vmem>> -> memref<1x4096xf32, #tpu.memory_space<vmem>>
    %dma_wait3A_58 = tpu.memref_squeeze %dma_wait3A_57 : memref<1x4096xf32, #tpu.memory_space<vmem>> -> memref<4096xf32, #tpu.memory_space<vmem>>
    tpu.wait_dma2 semaphore(%arg10 : memref<!tpu.dma_semaphore, #tpu.memory_space<semaphore_mem>>) src(%dma_wait3A_58 : memref<4096xf32, #tpu.memory_space<vmem>>) dst(%dma_wait3A_55 : memref<4096xf32, #tpu.memory_space<hbm>>)
    %mul3A_59 = arith.constant 32 : i32
    %mul3A_60 = arith.muli %arg0, %mul3A_59 : i32
    %add3A_61 = arith.constant 16 : i32
    %add3A_62 = arith.addi %mul3A_60, %add3A_61 : i32
    %add3A_63 = arith.addi %add3A_62, %arg1 : i32
    %dma_start3A_64 = arith.constant 0 : i32
    %dma_start3A_65 = tpu.memref_slice %arg2[%add3A_63, %dma_start3A_64] : memref<64x100000xf32, #tpu.memory_space<hbm>> -> memref<1x100000xf32, #tpu.memory_space<hbm>>
    %dma_start3A_66 = tpu.memref_squeeze %dma_start3A_65 : memref<1x100000xf32, #tpu.memory_space<hbm>> -> memref<100000xf32, #tpu.memory_space<hbm>>
    %dma_start3A_67 = arith.constant 0 : i32
    %dma_start3A_68 = tpu.memref_slice %arg2[%add3A_63, %dma_start3A_67] : memref<64x100000xf32, #tpu.memory_space<hbm>> -> memref<1x100000xf32, #tpu.memory_space<hbm>>
    %dma_start3A_69 = tpu.memref_squeeze %dma_start3A_68 : memref<1x100000xf32, #tpu.memory_space<hbm>> -> memref<100000xf32, #tpu.memory_space<hbm>>
    tpu.enqueue_dma source(%dma_start3A_69 : memref<100000xf32, #tpu.memory_space<hbm>>) target(%arg5 : memref<100000xf32, #tpu.memory_space<vmem>>) target_semaphore(%arg8 : memref<!tpu.dma_semaphore, #tpu.memory_space<semaphore_mem>>)
    %dma_wait3A_70 = arith.constant 0 : i32
    %dma_wait3A_71 = tpu.memref_slice %arg2[%add3A_63, %dma_wait3A_70] : memref<64x100000xf32, #tpu.memory_space<hbm>> -> memref<1x100000xf32, #tpu.memory_space<hbm>>
    %dma_wait3A_72 = tpu.memref_squeeze %dma_wait3A_71 : memref<1x100000xf32, #tpu.memory_space<hbm>> -> memref<100000xf32, #tpu.memory_space<hbm>>
    %dma_wait3A_73 = arith.constant 0 : i32
    %dma_wait3A_74 = tpu.memref_slice %arg2[%add3A_63, %dma_wait3A_73] : memref<64x100000xf32, #tpu.memory_space<hbm>> -> memref<1x100000xf32, #tpu.memory_space<hbm>>
    %dma_wait3A_75 = tpu.memref_squeeze %dma_wait3A_74 : memref<1x100000xf32, #tpu.memory_space<hbm>> -> memref<100000xf32, #tpu.memory_space<hbm>>
    tpu.wait_dma2 semaphore(%arg8 : memref<!tpu.dma_semaphore, #tpu.memory_space<semaphore_mem>>) src(%dma_wait3A_75 : memref<100000xf32, #tpu.memory_space<hbm>>) dst(%arg5 : memref<100000xf32, #tpu.memory_space<vmem>>)
    %dma_start3A_76 = arith.constant 0 : i32
    %dma_start3A_77 = arith.constant 0 : i32
    %dma_start3A_78 = arith.constant 0 : i32
    %dma_start3A_79 = tpu.memref_slice %arg6[%dma_start3A_77, %dma_start3A_78] : memref<2x4096xi32, #tpu.memory_space<vmem>> -> memref<1x4096xi32, #tpu.memory_space<vmem>>
    %dma_start3A_80 = tpu.memref_squeeze %dma_start3A_79 : memref<1x4096xi32, #tpu.memory_space<vmem>> -> memref<4096xi32, #tpu.memory_space<vmem>>
    %dma_start3A_81 = arith.constant 0 : i32
    %dma_start3A_82 = tpu.memref_slice %arg3[%dma_start3A_76, %dma_start3A_81] : memref<26x4096xi32, #tpu.memory_space<hbm>> -> memref<1x4096xi32, #tpu.memory_space<hbm>>
    %dma_start3A_83 = tpu.memref_squeeze %dma_start3A_82 : memref<1x4096xi32, #tpu.memory_space<hbm>> -> memref<4096xi32, #tpu.memory_space<hbm>>
    %dma_start3A_84 = arith.constant 0 : i32
    %dma_start3A_85 = tpu.memref_slice %arg6[%dma_start3A_77, %dma_start3A_84] : memref<2x4096xi32, #tpu.memory_space<vmem>> -> memref<1x4096xi32, #tpu.memory_space<vmem>>
    %dma_start3A_86 = tpu.memref_squeeze %dma_start3A_85 : memref<1x4096xi32, #tpu.memory_space<vmem>> -> memref<4096xi32, #tpu.memory_space<vmem>>
    %dma_start3A_87 = arith.constant 0 : i32
    %dma_start3A_88 = tpu.memref_slice %arg3[%dma_start3A_76, %dma_start3A_87] : memref<26x4096xi32, #tpu.memory_space<hbm>> -> memref<1x4096xi32, #tpu.memory_space<hbm>>
    %dma_start3A_89 = tpu.memref_squeeze %dma_start3A_88 : memref<1x4096xi32, #tpu.memory_space<hbm>> -> memref<4096xi32, #tpu.memory_space<hbm>>
    tpu.enqueue_dma source(%dma_start3A_89 : memref<4096xi32, #tpu.memory_space<hbm>>) target(%dma_start3A_86 : memref<4096xi32, #tpu.memory_space<vmem>>) target_semaphore(%arg9 : memref<!tpu.dma_semaphore, #tpu.memory_space<semaphore_mem>>)
    %scan3A_90 = arith.constant 0 : i32
    %scan3A_91 = arith.constant 13 : i32
    %scan3A_92 = arith.addi %scan3A_90, %scan3A_91 : i32
    %scan3A_93 = arith.constant 1 : i32
    scf.for %scan3A_123 = %scan3A_90 to %scan3A_92 step %scan3A_93  : i32 {
      %mul3A_124 = arith.constant 2 : i32
      %mul3A_125 = arith.muli %mul3A_124, %scan3A_123 : i32
      %dma_wait3A_126 = arith.constant 0 : i32
      %dma_wait3A_127 = arith.constant 0 : i32
      %dma_wait3A_128 = tpu.memref_slice %arg6[%dma_wait3A_126, %dma_wait3A_127] : memref<2x4096xi32, #tpu.memory_space<vmem>> -> memref<1x4096xi32, #tpu.memory_space<vmem>>
      %dma_wait3A_129 = tpu.memref_squeeze %dma_wait3A_128 : memref<1x4096xi32, #tpu.memory_space<vmem>> -> memref<4096xi32, #tpu.memory_space<vmem>>
      %dma_wait3A_130 = arith.constant 0 : i32
      %dma_wait3A_131 = tpu.memref_slice %arg3[%mul3A_125, %dma_wait3A_130] : memref<26x4096xi32, #tpu.memory_space<hbm>> -> memref<1x4096xi32, #tpu.memory_space<hbm>>
      %dma_wait3A_132 = tpu.memref_squeeze %dma_wait3A_131 : memref<1x4096xi32, #tpu.memory_space<hbm>> -> memref<4096xi32, #tpu.memory_space<hbm>>
      %dma_wait3A_133 = arith.constant 0 : i32
      %dma_wait3A_134 = tpu.memref_slice %arg6[%dma_wait3A_126, %dma_wait3A_133] : memref<2x4096xi32, #tpu.memory_space<vmem>> -> memref<1x4096xi32, #tpu.memory_space<vmem>>
      %dma_wait3A_135 = tpu.memref_squeeze %dma_wait3A_134 : memref<1x4096xi32, #tpu.memory_space<vmem>> -> memref<4096xi32, #tpu.memory_space<vmem>>
      %dma_wait3A_136 = arith.constant 0 : i32
      %dma_wait3A_137 = tpu.memref_slice %arg3[%mul3A_125, %dma_wait3A_136] : memref<26x4096xi32, #tpu.memory_space<hbm>> -> memref<1x4096xi32, #tpu.memory_space<hbm>>
      %dma_wait3A_138 = tpu.memref_squeeze %dma_wait3A_137 : memref<1x4096xi32, #tpu.memory_space<hbm>> -> memref<4096xi32, #tpu.memory_space<hbm>>
      tpu.wait_dma2 semaphore(%arg9 : memref<!tpu.dma_semaphore, #tpu.memory_space<semaphore_mem>>) src(%dma_wait3A_138 : memref<4096xi32, #tpu.memory_space<hbm>>) dst(%dma_wait3A_135 : memref<4096xi32, #tpu.memory_space<vmem>>)
      %add3A_139 = arith.constant 1 : i32
      %add3A_140 = arith.addi %mul3A_125, %add3A_139 : i32
      %lt3A = arith.constant 26 : i32
      %lt3A_141 = arith.cmpi slt, %add3A_140, %lt3A : i32
      %convert_element_type3A = arith.extui %lt3A_141 : i1 to i32
      %cond3A = arith.constant 0 : i32
      %cond3A_142 = arith.cmpi ne, %convert_element_type3A, %cond3A : i32
      scf.if %cond3A_142 {
        %add3A_207 = arith.constant 1 : i32
        %add3A_208 = arith.addi %mul3A_125, %add3A_207 : i32
        %dma_start3A_209 = arith.constant 1 : i32
        %dma_start3A_210 = arith.constant 0 : i32
        %dma_start3A_211 = tpu.memref_slice %arg6[%dma_start3A_209, %dma_start3A_210] : memref<2x4096xi32, #tpu.memory_space<vmem>> -> memref<1x4096xi32, #tpu.memory_space<vmem>>
        %dma_start3A_212 = tpu.memref_squeeze %dma_start3A_211 : memref<1x4096xi32, #tpu.memory_space<vmem>> -> memref<4096xi32, #tpu.memory_space<vmem>>
        %dma_start3A_213 = arith.constant 0 : i32
        %dma_start3A_214 = tpu.memref_slice %arg3[%add3A_208, %dma_start3A_213] : memref<26x4096xi32, #tpu.memory_space<hbm>> -> memref<1x4096xi32, #tpu.memory_space<hbm>>
        %dma_start3A_215 = tpu.memref_squeeze %dma_start3A_214 : memref<1x4096xi32, #tpu.memory_space<hbm>> -> memref<4096xi32, #tpu.memory_space<hbm>>
        %dma_start3A_216 = arith.constant 0 : i32
        %dma_start3A_217 = tpu.memref_slice %arg6[%dma_start3A_209, %dma_start3A_216] : memref<2x4096xi32, #tpu.memory_space<vmem>> -> memref<1x4096xi32, #tpu.memory_space<vmem>>
        %dma_start3A_218 = tpu.memref_squeeze %dma_start3A_217 : memref<1x4096xi32, #tpu.memory_space<vmem>> -> memref<4096xi32, #tpu.memory_space<vmem>>
        %dma_start3A_219 = arith.constant 0 : i32
        %dma_start3A_220 = tpu.memref_slice %arg3[%add3A_208, %dma_start3A_219] : memref<26x4096xi32, #tpu.memory_space<hbm>> -> memref<1x4096xi32, #tpu.memory_space<hbm>>
        %dma_start3A_221 = tpu.memref_squeeze %dma_start3A_220 : memref<1x4096xi32, #tpu.memory_space<hbm>> -> memref<4096xi32, #tpu.memory_space<hbm>>
        tpu.enqueue_dma source(%dma_start3A_221 : memref<4096xi32, #tpu.memory_space<hbm>>) target(%dma_start3A_218 : memref<4096xi32, #tpu.memory_space<vmem>>) target_semaphore(%arg9 : memref<!tpu.dma_semaphore, #tpu.memory_space<semaphore_mem>>)
      } else {
      }
      %ge3A = arith.constant 2 : i32
      %ge3A_143 = arith.cmpi sge, %mul3A_125, %ge3A : i32
      %convert_element_type3A_144 = arith.extui %ge3A_143 : i1 to i32
      %cond3A_145 = arith.constant 0 : i32
      %cond3A_146 = arith.cmpi ne, %convert_element_type3A_144, %cond3A_145 : i32
      scf.if %cond3A_146 {
        %sub3A = arith.constant 2 : i32
        %sub3A_207 = arith.subi %mul3A_125, %sub3A : i32
        %dma_wait3A_208 = arith.constant 0 : i32
        %dma_wait3A_209 = arith.constant 0 : i32
        %dma_wait3A_210 = tpu.memref_slice %arg7[%dma_wait3A_208, %dma_wait3A_209] : memref<2x4096xf32, #tpu.memory_space<vmem>> -> memref<1x4096xf32, #tpu.memory_space<vmem>>
        %dma_wait3A_211 = tpu.memref_squeeze %dma_wait3A_210 : memref<1x4096xf32, #tpu.memory_space<vmem>> -> memref<4096xf32, #tpu.memory_space<vmem>>
        %dma_wait3A_212 = arith.constant 0 : i32
        %dma_wait3A_213 = tpu.memref_slice %arg4[%sub3A_207, %add3A_63, %dma_wait3A_212] : memref<26x64x4096xf32, #tpu.memory_space<hbm>> -> memref<1x1x4096xf32, #tpu.memory_space<hbm>>
        %dma_wait3A_214 = tpu.memref_squeeze %dma_wait3A_213 : memref<1x1x4096xf32, #tpu.memory_space<hbm>> -> memref<4096xf32, #tpu.memory_space<hbm>>
        %dma_wait3A_215 = arith.constant 0 : i32
        %dma_wait3A_216 = tpu.memref_slice %arg4[%sub3A_207, %add3A_63, %dma_wait3A_215] : memref<26x64x4096xf32, #tpu.memory_space<hbm>> -> memref<1x1x4096xf32, #tpu.memory_space<hbm>>
        %dma_wait3A_217 = tpu.memref_squeeze %dma_wait3A_216 : memref<1x1x4096xf32, #tpu.memory_space<hbm>> -> memref<4096xf32, #tpu.memory_space<hbm>>
        %dma_wait3A_218 = arith.constant 0 : i32
        %dma_wait3A_219 = tpu.memref_slice %arg7[%dma_wait3A_208, %dma_wait3A_218] : memref<2x4096xf32, #tpu.memory_space<vmem>> -> memref<1x4096xf32, #tpu.memory_space<vmem>>
        %dma_wait3A_220 = tpu.memref_squeeze %dma_wait3A_219 : memref<1x4096xf32, #tpu.memory_space<vmem>> -> memref<4096xf32, #tpu.memory_space<vmem>>
        tpu.wait_dma2 semaphore(%arg10 : memref<!tpu.dma_semaphore, #tpu.memory_space<semaphore_mem>>) src(%dma_wait3A_220 : memref<4096xf32, #tpu.memory_space<vmem>>) dst(%dma_wait3A_217 : memref<4096xf32, #tpu.memory_space<hbm>>)
      } else {
      }
      %parallel_loop3A = arith.constant 0 : i32
      %parallel_loop3A_147 = arith.constant 16 : i32
      %parallel_loop3A_148 = arith.constant 16 : i32
      scf.for %parallel_loop3A_207 = %parallel_loop3A to %parallel_loop3A_147 step %parallel_loop3A_148  : i32 {
        %parallel_loop3A_208 = arith.constant 0 : i32
        %parallel_loop3A_209 = arith.index_cast %parallel_loop3A_208 : i32 to index
        %parallel_loop3A_210 = arith.index_cast %parallel_loop3A_207 : i32 to index
        %parallel_loop3A_211 = tpu.vector_load %arg6[%parallel_loop3A_209, %parallel_loop3A_210] {strides = array<i32>} : memref<2x4096xi32, #tpu.memory_space<vmem>>, vector<16xi32>,
        %parallel_loop3A_212 = tpu.vector_load_idx %arg5[%parallel_loop3A_211] : memref<100000xf32, #tpu.memory_space<vmem>>[vector<16xi32>], vector<16xf32>,
        %parallel_loop3A_213 = arith.constant 0 : i32
        %parallel_loop3A_214 = arith.index_cast %parallel_loop3A_213 : i32 to index
        %parallel_loop3A_215 = arith.index_cast %parallel_loop3A_207 : i32 to index
        %parallel_loop3A_216 = tpu.vector_load %arg7[%parallel_loop3A_214, %parallel_loop3A_215] {strides = array<i32>} : memref<2x4096xf32, #tpu.memory_space<vmem>>, vector<16xf32>,
        tpu.vector_store %arg7[%parallel_loop3A_214, %parallel_loop3A_215], %parallel_loop3A_212 {strides = array<i32>} : memref<2x4096xf32, #tpu.memory_space<vmem>>, vector<16xf32>,
      } {sc.loop_unroll_factor = 1 : i64, sc.parallel_access}
      %dma_start3A_149 = arith.constant 0 : i32
      %dma_start3A_150 = arith.constant 0 : i32
      %dma_start3A_151 = tpu.memref_slice %arg7[%dma_start3A_149, %dma_start3A_150] : memref<2x4096xf32, #tpu.memory_space<vmem>> -> memref<1x4096xf32, #tpu.memory_space<vmem>>
      %dma_start3A_152 = tpu.memref_squeeze %dma_start3A_151 : memref<1x4096xf32, #tpu.memory_space<vmem>> -> memref<4096xf32, #tpu.memory_space<vmem>>
      %dma_start3A_153 = arith.constant 0 : i32
      %dma_start3A_154 = tpu.memref_slice %arg4[%mul3A_125, %add3A_63, %dma_start3A_153] : memref<26x64x4096xf32, #tpu.memory_space<hbm>> -> memref<1x1x4096xf32, #tpu.memory_space<hbm>>
      %dma_start3A_155 = tpu.memref_squeeze %dma_start3A_154 : memref<1x1x4096xf32, #tpu.memory_space<hbm>> -> memref<4096xf32, #tpu.memory_space<hbm>>
      %dma_start3A_156 = arith.constant 0 : i32
      %dma_start3A_157 = tpu.memref_slice %arg4[%mul3A_125, %add3A_63, %dma_start3A_156] : memref<26x64x4096xf32, #tpu.memory_space<hbm>> -> memref<1x1x4096xf32, #tpu.memory_space<hbm>>
      %dma_start3A_158 = tpu.memref_squeeze %dma_start3A_157 : memref<1x1x4096xf32, #tpu.memory_space<hbm>> -> memref<4096xf32, #tpu.memory_space<hbm>>
      %dma_start3A_159 = arith.constant 0 : i32
      %dma_start3A_160 = tpu.memref_slice %arg7[%dma_start3A_149, %dma_start3A_159] : memref<2x4096xf32, #tpu.memory_space<vmem>> -> memref<1x4096xf32, #tpu.memory_space<vmem>>
      %dma_start3A_161 = tpu.memref_squeeze %dma_start3A_160 : memref<1x4096xf32, #tpu.memory_space<vmem>> -> memref<4096xf32, #tpu.memory_space<vmem>>
      tpu.enqueue_dma source(%dma_start3A_161 : memref<4096xf32, #tpu.memory_space<vmem>>) target(%dma_start3A_158 : memref<4096xf32, #tpu.memory_space<hbm>>) target_semaphore(%arg10 : memref<!tpu.dma_semaphore, #tpu.memory_space<semaphore_mem>>)
      %mul3A_162 = arith.constant 2 : i32
      %mul3A_163 = arith.muli %mul3A_162, %scan3A_123 : i32
      %add3A_164 = arith.constant 1 : i32
      %add3A_165 = arith.addi %mul3A_163, %add3A_164 : i32
      %dma_wait3A_166 = arith.constant 1 : i32
      %dma_wait3A_167 = arith.constant 0 : i32
      %dma_wait3A_168 = tpu.memref_slice %arg6[%dma_wait3A_166, %dma_wait3A_167] : memref<2x4096xi32, #tpu.memory_space<vmem>> -> memref<1x4096xi32, #tpu.memory_space<vmem>>
      %dma_wait3A_169 = tpu.memref_squeeze %dma_wait3A_168 : memref<1x4096xi32, #tpu.memory_space<vmem>> -> memref<4096xi32, #tpu.memory_space<vmem>>
      %dma_wait3A_170 = arith.constant 0 : i32
      %dma_wait3A_171 = tpu.memref_slice %arg3[%add3A_165, %dma_wait3A_170] : memref<26x4096xi32, #tpu.memory_space<hbm>> -> memref<1x4096xi32, #tpu.memory_space<hbm>>
      %dma_wait3A_172 = tpu.memref_squeeze %dma_wait3A_171 : memref<1x4096xi32, #tpu.memory_space<hbm>> -> memref<4096xi32, #tpu.memory_space<hbm>>
      %dma_wait3A_173 = arith.constant 0 : i32
      %dma_wait3A_174 = tpu.memref_slice %arg6[%dma_wait3A_166, %dma_wait3A_173] : memref<2x4096xi32, #tpu.memory_space<vmem>> -> memref<1x4096xi32, #tpu.memory_space<vmem>>
      %dma_wait3A_175 = tpu.memref_squeeze %dma_wait3A_174 : memref<1x4096xi32, #tpu.memory_space<vmem>> -> memref<4096xi32, #tpu.memory_space<vmem>>
      %dma_wait3A_176 = arith.constant 0 : i32
      %dma_wait3A_177 = tpu.memref_slice %arg3[%add3A_165, %dma_wait3A_176] : memref<26x4096xi32, #tpu.memory_space<hbm>> -> memref<1x4096xi32, #tpu.memory_space<hbm>>
      %dma_wait3A_178 = tpu.memref_squeeze %dma_wait3A_177 : memref<1x4096xi32, #tpu.memory_space<hbm>> -> memref<4096xi32, #tpu.memory_space<hbm>>
      tpu.wait_dma2 semaphore(%arg9 : memref<!tpu.dma_semaphore, #tpu.memory_space<semaphore_mem>>) src(%dma_wait3A_178 : memref<4096xi32, #tpu.memory_space<hbm>>) dst(%dma_wait3A_175 : memref<4096xi32, #tpu.memory_space<vmem>>)
      %add3A_179 = arith.constant 1 : i32
      %add3A_180 = arith.addi %add3A_165, %add3A_179 : i32
      %lt3A_181 = arith.constant 26 : i32
      %lt3A_182 = arith.cmpi slt, %add3A_180, %lt3A_181 : i32
      %convert_element_type3A_183 = arith.extui %lt3A_182 : i1 to i32
      %cond3A_184 = arith.constant 0 : i32
      %cond3A_185 = arith.cmpi ne, %convert_element_type3A_183, %cond3A_184 : i32
      scf.if %cond3A_185 {
        %add3A_207 = arith.constant 1 : i32
        %add3A_208 = arith.addi %add3A_165, %add3A_207 : i32
        %dma_start3A_209 = arith.constant 0 : i32
        %dma_start3A_210 = arith.constant 0 : i32
        %dma_start3A_211 = tpu.memref_slice %arg6[%dma_start3A_209, %dma_start3A_210] : memref<2x4096xi32, #tpu.memory_space<vmem>> -> memref<1x4096xi32, #tpu.memory_space<vmem>>
        %dma_start3A_212 = tpu.memref_squeeze %dma_start3A_211 : memref<1x4096xi32, #tpu.memory_space<vmem>> -> memref<4096xi32, #tpu.memory_space<vmem>>
        %dma_start3A_213 = arith.constant 0 : i32
        %dma_start3A_214 = tpu.memref_slice %arg3[%add3A_208, %dma_start3A_213] : memref<26x4096xi32, #tpu.memory_space<hbm>> -> memref<1x4096xi32, #tpu.memory_space<hbm>>
        %dma_start3A_215 = tpu.memref_squeeze %dma_start3A_214 : memref<1x4096xi32, #tpu.memory_space<hbm>> -> memref<4096xi32, #tpu.memory_space<hbm>>
        %dma_start3A_216 = arith.constant 0 : i32
        %dma_start3A_217 = tpu.memref_slice %arg6[%dma_start3A_209, %dma_start3A_216] : memref<2x4096xi32, #tpu.memory_space<vmem>> -> memref<1x4096xi32, #tpu.memory_space<vmem>>
        %dma_start3A_218 = tpu.memref_squeeze %dma_start3A_217 : memref<1x4096xi32, #tpu.memory_space<vmem>> -> memref<4096xi32, #tpu.memory_space<vmem>>
        %dma_start3A_219 = arith.constant 0 : i32
        %dma_start3A_220 = tpu.memref_slice %arg3[%add3A_208, %dma_start3A_219] : memref<26x4096xi32, #tpu.memory_space<hbm>> -> memref<1x4096xi32, #tpu.memory_space<hbm>>
        %dma_start3A_221 = tpu.memref_squeeze %dma_start3A_220 : memref<1x4096xi32, #tpu.memory_space<hbm>> -> memref<4096xi32, #tpu.memory_space<hbm>>
        tpu.enqueue_dma source(%dma_start3A_221 : memref<4096xi32, #tpu.memory_space<hbm>>) target(%dma_start3A_218 : memref<4096xi32, #tpu.memory_space<vmem>>) target_semaphore(%arg9 : memref<!tpu.dma_semaphore, #tpu.memory_space<semaphore_mem>>)
      } else {
      }
      %ge3A_186 = arith.constant 2 : i32
      %ge3A_187 = arith.cmpi sge, %add3A_165, %ge3A_186 : i32
      %convert_element_type3A_188 = arith.extui %ge3A_187 : i1 to i32
      %cond3A_189 = arith.constant 0 : i32
      %cond3A_190 = arith.cmpi ne, %convert_element_type3A_188, %cond3A_189 : i32
      scf.if %cond3A_190 {
        %sub3A = arith.constant 2 : i32
        %sub3A_207 = arith.subi %add3A_165, %sub3A : i32
        %dma_wait3A_208 = arith.constant 1 : i32
        %dma_wait3A_209 = arith.constant 0 : i32
        %dma_wait3A_210 = tpu.memref_slice %arg7[%dma_wait3A_208, %dma_wait3A_209] : memref<2x4096xf32, #tpu.memory_space<vmem>> -> memref<1x4096xf32, #tpu.memory_space<vmem>>
        %dma_wait3A_211 = tpu.memref_squeeze %dma_wait3A_210 : memref<1x4096xf32, #tpu.memory_space<vmem>> -> memref<4096xf32, #tpu.memory_space<vmem>>
        %dma_wait3A_212 = arith.constant 0 : i32
        %dma_wait3A_213 = tpu.memref_slice %arg4[%sub3A_207, %add3A_63, %dma_wait3A_212] : memref<26x64x4096xf32, #tpu.memory_space<hbm>> -> memref<1x1x4096xf32, #tpu.memory_space<hbm>>
        %dma_wait3A_214 = tpu.memref_squeeze %dma_wait3A_213 : memref<1x1x4096xf32, #tpu.memory_space<hbm>> -> memref<4096xf32, #tpu.memory_space<hbm>>
        %dma_wait3A_215 = arith.constant 0 : i32
        %dma_wait3A_216 = tpu.memref_slice %arg4[%sub3A_207, %add3A_63, %dma_wait3A_215] : memref<26x64x4096xf32, #tpu.memory_space<hbm>> -> memref<1x1x4096xf32, #tpu.memory_space<hbm>>
        %dma_wait3A_217 = tpu.memref_squeeze %dma_wait3A_216 : memref<1x1x4096xf32, #tpu.memory_space<hbm>> -> memref<4096xf32, #tpu.memory_space<hbm>>
        %dma_wait3A_218 = arith.constant 0 : i32
        %dma_wait3A_219 = tpu.memref_slice %arg7[%dma_wait3A_208, %dma_wait3A_218] : memref<2x4096xf32, #tpu.memory_space<vmem>> -> memref<1x4096xf32, #tpu.memory_space<vmem>>
        %dma_wait3A_220 = tpu.memref_squeeze %dma_wait3A_219 : memref<1x4096xf32, #tpu.memory_space<vmem>> -> memref<4096xf32, #tpu.memory_space<vmem>>
        tpu.wait_dma2 semaphore(%arg10 : memref<!tpu.dma_semaphore, #tpu.memory_space<semaphore_mem>>) src(%dma_wait3A_220 : memref<4096xf32, #tpu.memory_space<vmem>>) dst(%dma_wait3A_217 : memref<4096xf32, #tpu.memory_space<hbm>>)
      } else {
      }
      %parallel_loop3A_191 = arith.constant 0 : i32
      %parallel_loop3A_192 = arith.constant 16 : i32
      %parallel_loop3A_193 = arith.constant 16 : i32
      scf.for %parallel_loop3A_207 = %parallel_loop3A_191 to %parallel_loop3A_192 step %parallel_loop3A_193  : i32 {
        %parallel_loop3A_208 = arith.constant 1 : i32
        %parallel_loop3A_209 = arith.index_cast %parallel_loop3A_208 : i32 to index
        %parallel_loop3A_210 = arith.index_cast %parallel_loop3A_207 : i32 to index
        %parallel_loop3A_211 = tpu.vector_load %arg6[%parallel_loop3A_209, %parallel_loop3A_210] {strides = array<i32>} : memref<2x4096xi32, #tpu.memory_space<vmem>>, vector<16xi32>,
        %parallel_loop3A_212 = tpu.vector_load_idx %arg5[%parallel_loop3A_211] : memref<100000xf32, #tpu.memory_space<vmem>>[vector<16xi32>], vector<16xf32>,
        %parallel_loop3A_213 = arith.constant 1 : i32
        %parallel_loop3A_214 = arith.index_cast %parallel_loop3A_213 : i32 to index
        %parallel_loop3A_215 = arith.index_cast %parallel_loop3A_207 : i32 to index
        %parallel_loop3A_216 = tpu.vector_load %arg7[%parallel_loop3A_214, %parallel_loop3A_215] {strides = array<i32>} : memref<2x4096xf32, #tpu.memory_space<vmem>>, vector<16xf32>,
        tpu.vector_store %arg7[%parallel_loop3A_214, %parallel_loop3A_215], %parallel_loop3A_212 {strides = array<i32>} : memref<2x4096xf32, #tpu.memory_space<vmem>>, vector<16xf32>,
      } {sc.loop_unroll_factor = 1 : i64, sc.parallel_access}
      %dma_start3A_194 = arith.constant 1 : i32
      %dma_start3A_195 = arith.constant 0 : i32
      %dma_start3A_196 = tpu.memref_slice %arg7[%dma_start3A_194, %dma_start3A_195] : memref<2x4096xf32, #tpu.memory_space<vmem>> -> memref<1x4096xf32, #tpu.memory_space<vmem>>
      %dma_start3A_197 = tpu.memref_squeeze %dma_start3A_196 : memref<1x4096xf32, #tpu.memory_space<vmem>> -> memref<4096xf32, #tpu.memory_space<vmem>>
      %dma_start3A_198 = arith.constant 0 : i32
      %dma_start3A_199 = tpu.memref_slice %arg4[%add3A_165, %add3A_63, %dma_start3A_198] : memref<26x64x4096xf32, #tpu.memory_space<hbm>> -> memref<1x1x4096xf32, #tpu.memory_space<hbm>>
      %dma_start3A_200 = tpu.memref_squeeze %dma_start3A_199 : memref<1x1x4096xf32, #tpu.memory_space<hbm>> -> memref<4096xf32, #tpu.memory_space<hbm>>
      %dma_start3A_201 = arith.constant 0 : i32
      %dma_start3A_202 = tpu.memref_slice %arg4[%add3A_165, %add3A_63, %dma_start3A_201] : memref<26x64x4096xf32, #tpu.memory_space<hbm>> -> memref<1x1x4096xf32, #tpu.memory_space<hbm>>
      %dma_start3A_203 = tpu.memref_squeeze %dma_start3A_202 : memref<1x1x4096xf32, #tpu.memory_space<hbm>> -> memref<4096xf32, #tpu.memory_space<hbm>>
      %dma_start3A_204 = arith.constant 0 : i32
      %dma_start3A_205 = tpu.memref_slice %arg7[%dma_start3A_194, %dma_start3A_204] : memref<2x4096xf32, #tpu.memory_space<vmem>> -> memref<1x4096xf32, #tpu.memory_space<vmem>>
      %dma_start3A_206 = tpu.memref_squeeze %dma_start3A_205 : memref<1x4096xf32, #tpu.memory_space<vmem>> -> memref<4096xf32, #tpu.memory_space<vmem>>
      tpu.enqueue_dma source(%dma_start3A_206 : memref<4096xf32, #tpu.memory_space<vmem>>) target(%dma_start3A_203 : memref<4096xf32, #tpu.memory_space<hbm>>) target_semaphore(%arg10 : memref<!tpu.dma_semaphore, #tpu.memory_space<semaphore_mem>>)
    }
    %scan3A_94 = arith.constant 13 : i32
    %dma_wait3A_95 = arith.constant 0 : i32
    %dma_wait3A_96 = arith.constant 24 : i32
    %dma_wait3A_97 = arith.constant 0 : i32
    %dma_wait3A_98 = tpu.memref_slice %arg7[%dma_wait3A_95, %dma_wait3A_97] : memref<2x4096xf32, #tpu.memory_space<vmem>> -> memref<1x4096xf32, #tpu.memory_space<vmem>>
    %dma_wait3A_99 = tpu.memref_squeeze %dma_wait3A_98 : memref<1x4096xf32, #tpu.memory_space<vmem>> -> memref<4096xf32, #tpu.memory_space<vmem>>
    %dma_wait3A_100 = arith.constant 0 : i32
    %dma_wait3A_101 = tpu.memref_slice %arg4[%dma_wait3A_96, %add3A_63, %dma_wait3A_100] : memref<26x64x4096xf32, #tpu.memory_space<hbm>> -> memref<1x1x4096xf32, #tpu.memory_space<hbm>>
    %dma_wait3A_102 = tpu.memref_squeeze %dma_wait3A_101 : memref<1x1x4096xf32, #tpu.memory_space<hbm>> -> memref<4096xf32, #tpu.memory_space<hbm>>
    %dma_wait3A_103 = arith.constant 0 : i32
    %dma_wait3A_104 = tpu.memref_slice %arg4[%dma_wait3A_96, %add3A_63, %dma_wait3A_103] : memref<26x64x4096xf32, #tpu.memory_space<hbm>> -> memref<1x1x4096xf32, #tpu.memory_space<hbm>>
    %dma_wait3A_105 = tpu.memref_squeeze %dma_wait3A_104 : memref<1x1x4096xf32, #tpu.memory_space<hbm>> -> memref<4096xf32, #tpu.memory_space<hbm>>
    %dma_wait3A_106 = arith.constant 0 : i32
    %dma_wait3A_107 = tpu.memref_slice %arg7[%dma_wait3A_95, %dma_wait3A_106] : memref<2x4096xf32, #tpu.memory_space<vmem>> -> memref<1x4096xf32, #tpu.memory_space<vmem>>
    %dma_wait3A_108 = tpu.memref_squeeze %dma_wait3A_107 : memref<1x4096xf32, #tpu.memory_space<vmem>> -> memref<4096xf32, #tpu.memory_space<vmem>>
    tpu.wait_dma2 semaphore(%arg10 : memref<!tpu.dma_semaphore, #tpu.memory_space<semaphore_mem>>) src(%dma_wait3A_108 : memref<4096xf32, #tpu.memory_space<vmem>>) dst(%dma_wait3A_105 : memref<4096xf32, #tpu.memory_space<hbm>>)
    %dma_wait3A_109 = arith.constant 1 : i32
    %dma_wait3A_110 = arith.constant 25 : i32
    %dma_wait3A_111 = arith.constant 0 : i32
    %dma_wait3A_112 = tpu.memref_slice %arg7[%dma_wait3A_109, %dma_wait3A_111] : memref<2x4096xf32, #tpu.memory_space<vmem>> -> memref<1x4096xf32, #tpu.memory_space<vmem>>
    %dma_wait3A_113 = tpu.memref_squeeze %dma_wait3A_112 : memref<1x4096xf32, #tpu.memory_space<vmem>> -> memref<4096xf32, #tpu.memory_space<vmem>>
    %dma_wait3A_114 = arith.constant 0 : i32
    %dma_wait3A_115 = tpu.memref_slice %arg4[%dma_wait3A_110, %add3A_63, %dma_wait3A_114] : memref<26x64x4096xf32, #tpu.memory_space<hbm>> -> memref<1x1x4096xf32, #tpu.memory_space<hbm>>
    %dma_wait3A_116 = tpu.memref_squeeze %dma_wait3A_115 : memref<1x1x4096xf32, #tpu.memory_space<hbm>> -> memref<4096xf32, #tpu.memory_space<hbm>>
    %dma_wait3A_117 = arith.constant 0 : i32
    %dma_wait3A_118 = tpu.memref_slice %arg4[%dma_wait3A_110, %add3A_63, %dma_wait3A_117] : memref<26x64x4096xf32, #tpu.memory_space<hbm>> -> memref<1x1x4096xf32, #tpu.memory_space<hbm>>
    %dma_wait3A_119 = tpu.memref_squeeze %dma_wait3A_118 : memref<1x1x4096xf32, #tpu.memory_space<hbm>> -> memref<4096xf32, #tpu.memory_space<hbm>>
    %dma_wait3A_120 = arith.constant 0 : i32
    %dma_wait3A_121 = tpu.memref_slice %arg7[%dma_wait3A_109, %dma_wait3A_120] : memref<2x4096xf32, #tpu.memory_space<vmem>> -> memref<1x4096xf32, #tpu.memory_space<vmem>>
    %dma_wait3A_122 = tpu.memref_squeeze %dma_wait3A_121 : memref<1x4096xf32, #tpu.memory_space<vmem>> -> memref<4096xf32, #tpu.memory_space<vmem>>
    tpu.wait_dma2 semaphore(%arg10 : memref<!tpu.dma_semaphore, #tpu.memory_space<semaphore_mem>>) src(%dma_wait3A_122 : memref<4096xf32, #tpu.memory_space<vmem>>) dst(%dma_wait3A_119 : memref<4096xf32, #tpu.memory_space<hbm>>)
    return
  }
}

</mosaic_0001>

<sc_bundles>
// kernel: kernel.3.cloned.1.call-start
scs
__scs_entry_jumppad:
0x0: {  	(pc) =	sbr.rel $0x88, $3  }
0x1: {  	(tag) =	ssettag $0x0;
	lr =	simm.s32 $0x1  }
0x2: {  	[smem:$0x3F9F] =	sst lr;
	_ =	strace $0xD0000000  }
0x3: {  	_ = 	snop  }
0x4: {  	_ = 	snop  }
0x5: {  	_ = 	snop  }
0x6: {  	_ = 	snop  }
0x7: {  	_ = 	snop  }
__scs_overlays_trampoline_lowered:
0x8: {  	[smem:$0x3FAE] =	sst s0  }
0x9: {  	[smem:$0x3FAF] =	sst s1  }
0xa: {  	[smem:$0x3FB0] =	sst s2  }
0xb: {  	[smem:$0x3FB1] =	sst s3  }
0xc: {  	[smem:$0x3FB2] =	sst s4  }
0xd: {  	[smem:$0x3FB3] =	sst s5  }
0xe: {  	[smem:$0x3FB4] =	sst s6  }
0xf: {  	[smem:$0x3FB5] =	sst s7  }
0x10: {  	[smem:$0x3FB6] =	sst s8  }
0x11: {  	[smem:$0x3FB7] =	sst s9;
	s0 =	simm.s32 @!p0 $0x0  }
0x12: {  	s1 =	sld [smem:$0x3F9D];
	s0 =	simm.s32 @p0 $0x1  }
0x13: {  	[smem:$0x3FB8] =	sst s0;
	s0 =	simm.s32 @!p1 $0x0  }
0x14: {  	s2 =	sld [smem:$0x3F9C];
	s0 =	simm.s32 @p1 $0x1  }
0x15: {  	[smem:$0x3FB9] =	sst s0;
	s0 =	simm.s32 @!p2 $0x0  }
0x16: {  	s3 =	sld [smem:$0x3FDB];
	s0 =	simm.s32 @p2 $0x1  }
0x17: {  	s4 =	simm.s32 $0x1BF5;
	[smem:$0x3FBB] =	sst s0  }
0x18: {  	s0 =	sld [smem:$0x3F9E];
	_ =	swait.ge [sflag:s4], $0x0  }
0x19: {  	s7 =	sld [smem:$0x3F9F]  }
0x1a: {  	s8 =	sadd.s32 $0xFFFFE003, lr  }
0x1b: {  	s9 =	sadd.s32 $0xFFFFFEF7, lr;
	s5 =	simm.s32 $0xFFFFFFFF;
	p2 =	slt.u32 s8, $0xFFFFF086  }
0x1c: {  	p1 =	slt.u32 s9, $0xF7A;
	s5 =	simm.s32 @!p2 $0x0  }
0x1d: {  	s5 =	simm.s32 @p1 $0x1;
	p0 =	seq.s32 s7, s2  }
0x1e: {  	s7 =	smul.u32 @!p0 $0xF7A, s2;
	p2 =	seq.s32 @!p0 s5, $0x0  }
0x1f: {  	s9 =	smul.u32 $0xF7A, s1;
	s8 =	simm.s32 @!p0 $0x1BF5;
	p2 =	por !p2, p0  }
0x20: {  	[sflag:s8] =	ssyncset.s32 @!p0 $0xFFFFF086;
	s6 =	sadd.s32 @!p0 s3, s7;
	s7 =	simm.s32 @!p0 $0x108  }
0x21: {  	s3 =	sadd.s32 s3, s9;
	s6 =	sadd.s32 @!p0 $0x88, s6;
	s7 =	simm.s32 @p2 $0x1082  }
0x22: {  	[simem:s7], [sflag:s8] =	dma.local @!p0 [hbm:s6], $0xF7A  }
0x23: {  	s9 =	sor.u32 $0xD0000000, s2;
	s6 =	simm.s32 $0x108;
	_ =	swait.ge @!p0 [sflag:s8], $0x0  }
0x24: {  	s3 =	sadd.s32 $0x88, s3;
	s6 =	simm.s32 @!p1 $0x1082;
	[sflag:s4] =	ssyncset.s32 $0xFFFFF086  }
0x25: {  	[simem:s6], [sflag:s4] =	dma.local [hbm:s3], $0xF7A  }
0x26: {  	[smem:$0x3F9F] =	sst s1;
	(tag) =	ssettag s2;
	_ =	strace s9  }
0x27: {  	s1 =	sld [smem:$0x3FAF]  }
0x28: {  	s2 =	sld [smem:$0x3FB0]  }
0x29: {  	s4 =	sld [smem:$0x3FB2]  }
0x2a: {  	p0 =	seq.s32 s5, $0x0;
	s5 =	sld [smem:$0x3FB3]  }
0x2b: {  	s6 =	sld [smem:$0x3FB4]  }
0x2c: {  	s7 =	sld [smem:$0x3FB5]  }
0x2d: {  	s3 =	simm.s32 $0x108;
	s8 =	sld [smem:$0x3FB6]  }
0x2e: {  	s3 =	simm.s32 @!p0 $0x1082;
	s9 =	sld [smem:$0x3FB7]  }
0x2f: {  	lr =	sadd.s32 s0, s3;
	s0 =	sld [smem:$0x3FAE]  }
0x30: {  	s3 =	sld [smem:$0x3FB1]  }
0x31: {  	[smem:$0x3FBA] =	sst s10  }
0x32: {  	s10 =	sld [smem:$0x3FB8];
	_ =	sdelay $0x3  }
0x33: {  	p0 =	seq.s32 s10, $0x1;
	s10 =	sld [smem:$0x3FBA];
	_ =	sdelay $0x3  }
0x34: {  	[smem:$0x3FBA] =	sst s10  }
0x35: {  	s10 =	sld [smem:$0x3FB9];
	_ =	sdelay $0x3  }
0x36: {  	p1 =	seq.s32 s10, $0x1;
	s10 =	sld [smem:$0x3FBA];
	_ =	sdelay $0x3  }
0x37: {  	[smem:$0x3FBA] =	sst s10  }
0x38: {  	s10 =	sld [smem:$0x3FBB]  }
0x39: {  	_ = 	snop;
	(pc) =	sbr.ind lr, $3  }
0x3a: {  	_ = 	snop  }
0x3b: {  	_ = 	snop  }
0x3c: {  	p2 =	seq.s32 s10, $0x1;
	s10 =	sld [smem:$0x3FBA]  }
0x3d: {  	_ =	shalt  }
0x3e: {  	_ =	shalt  }
0x3f: {  	_ =	shalt  }
0x40: {  	_ =	shalt  }
0x41: {  	_ =	shalt  }
0x42: {  	_ =	shalt  }
0x43: {  	_ =	shalt  }
0x44: {  	_ =	shalt  }
0x45: {  	_ =	shalt  }
0x46: {  	_ =	shalt  }
0x47: {  	_ =	shalt  }
0x48: {  	_ =	shalt  }
0x49: {  	_ =	shalt  }
0x4a: {  	_ =	shalt  }
0x4b: {  	_ =	shalt  }
0x4c: {  	_ =	shalt  }
0x4d: {  	_ =	shalt  }
0x4e: {  	_ =	shalt  }
0x4f: {  	_ =	shalt  }
0x50: {  	_ =	shalt  }
0x51: {  	_ =	shalt  }
0x52: {  	_ =	shalt  }
0x53: {  	_ =	shalt  }
0x54: {  	_ =	shalt  }
0x55: {  	_ =	shalt  }
0x56: {  	_ =	shalt  }
0x57: {  	_ =	shalt  }
0x58: {  	_ =	shalt  }
0x59: {  	_ =	shalt  }
0x5a: {  	_ =	shalt  }
0x5b: {  	_ =	shalt  }
0x5c: {  	_ =	shalt  }
0x5d: {  	_ =	shalt  }
0x5e: {  	_ =	shalt  }
0x5f: {  	_ =	shalt  }
0x60: {  	_ =	shalt  }
0x61: {  	_ =	shalt  }
0x62: {  	_ =	shalt  }
0x63: {  	_ =	shalt  }
0x64: {  	_ =	shalt  }
0x65: {  	_ =	shalt  }
0x66: {  	_ =	shalt  }
0x67: {  	_ =	shalt  }
0x68: {  	_ =	shalt  }
0x69: {  	_ =	shalt  }
0x6a: {  	_ =	shalt  }
0x6b: {  	_ =	shalt  }
0x6c: {  	_ =	shalt  }
0x6d: {  	_ =	shalt  }
0x6e: {  	_ =	shalt  }
0x6f: {  	_ =	shalt  }
0x70: {  	_ =	shalt  }
0x71: {  	_ =	shalt  }
0x72: {  	_ =	shalt  }
0x73: {  	_ =	shalt  }
0x74: {  	_ =	shalt  }
0x75: {  	_ =	shalt  }
0x76: {  	_ =	shalt  }
0x77: {  	_ =	shalt  }
0x78: {  	_ =	shalt  }
0x79: {  	_ =	shalt  }
0x7a: {  	_ =	shalt  }
0x7b: {  	_ =	shalt  }
0x7c: {  	_ =	shalt  }
0x7d: {  	_ =	shalt  }
0x7e: {  	_ =	shalt  }
0x7f: {  	_ =	shalt  }
0x80: {  	_ =	shalt  }
0x81: {  	_ =	shalt  }
0x82: {  	_ =	shalt  }
0x83: {  	_ =	shalt  }
0x84: {  	_ =	shalt  }
0x85: {  	_ =	shalt  }
0x86: {  	_ =	shalt  }
0x87: {  	_ =	shalt  }
.Lfunc_end0:
.L_simem_size_0:
called_computation_lowered:
.L_overlay_start_0:
0x88: {  	s2 =	sld [smem:$0x3FD9]  }
0x89: {  	s3 =	sld [smem:$0x3FFE];
	_ =	sdelay $0x1  }
0x8a: {  	s1 =	srdreg.scid  }
0x8b: {  	s0 =	sand.u32 $0x1, s1  }
0x8c: {  	s18 =	sshll.u32 s0, $0xA;
	s2 =	sadd.s32 s3, s2  }
0x8d: {  	s2 =	sadd.s32 s2, s18  }
0x8e: {  	[smem:$0x3FC6] =	sst s2  }
0x8f: {  	_ = 	snop  }
0x90: {  	s2 =	sld [smem:$0x3FC9]  }
0x91: {  	s19 =	sld [smem:$0x3FC8]  }
0x92: {  	s4 =	sld [smem:$0x3FD0];
	(tm) =	ssettm $0x1  }
0x93: {  	s5 =	sld [smem:$0x3FFB];
	_ =	sdelay $0x3  }
0x94: {  	_ =	strace s5  }
0x95: {  	s5 =	sld [smem:$0x3FFC];
	_ =	sdelay $0x3  }
0x96: {  	_ =	strace s5  }
0x97: {  	s5 =	sld [smem:$0x3FFD];
	_ =	sdelay $0x3  }
0x98: {  	_ =	strace s5  }
0x99: {  	_ =	strace $0x8FFFFFFF  }
0x9a: {  	s20 =	sld [smem:$0x3FDB];
	_ =	sdelay $0x1  }
0x9b: {  	s6 =	simm.s32 $_scs_section_size  }
0x9c: {  	s7 =	simm.s32 $_size__tile_overlayer_lowered;
	s8 =	simm.s32 $_tile_overlayer_lowered  }
0x9d: {  	s23 =	simm.s32 $0x1BFF;
	s22 =	sshll.u32 s8, $0x1;
	s5 =	sadd.s32 s6, s20  }
0x9e: {  	s9 =	simm.s32 $0x0;
	s21 =	sshll.u32 s7, $0x1;
	s7 =	sadd.s32 s22, s5  }
0x9f: {  	[timem:s9], [sflag:s23] =	dma.local [hbm:s7], s21  }
0xa0: {  	_ =	swait.ge [sflag:s23], s21  }
0xa1: {  	s6 =	ssub.s32 $0x0, s21;
	[sflag:s23] =	ssyncset.done $0x0  }
0xa2: {  	[sflag:s23] =	ssyncadd.s32 s6;
	_ =	sdelay $0x1  }
0xa3: {  	s24 =	simm.s32 $0x1B8B  }
0xa4: {  	_ =	swait.ge [sflag:s24], $0x1  }
0xa5: {  	[sflag:s24] =	ssyncset.done $0x0  }
0xa6: {  	s25 =	simm.s32 $0x1B8E;
	[sflag:s24] =	ssyncadd.s32 $0xFFFFFFFF  }
0xa7: {  	s26 =	simm.s32 $execute0_lowered;
	[smem:$0x3FD2] =	sst s25  }
0xa8: {  	s6 =	sshll.u32 s26, $0x1;
	_ =	strace $0x80000046;
	[dreg:$0x1] =	wrdreg $0xFFFFFFFF  }
0xa9: {  	s28 =	simm.s32 $_size_execute0_lowered;
	s5 =	sadd.s32 s5, s6;
	[dreg:$0x0] =	wrdreg $0x0  }
0xaa: {  	s6 =	sshll.u32 s28, $0x1;
	[dreg:$0x2] =	wrdreg s5  }
0xab: {  	[dreg:$0x3] =	wrdreg s6  }
0xac: {  	[dreg:$0x4] =	wrdreg $0xC0  }
0xad: {  	_ =	task [dreg:s9], $0x5FFFF  }
0xae: {  	[dreg:$0x1] =	wrdreg $0xFFFFFFFF  }
0xaf: {  	[dreg:$0x0] =	wrdreg $0x60  }
0xb0: {  	[dreg:$0x2] =	wrdreg s19  }
0xb1: {  	[dreg:$0x3] =	wrdreg s2  }
0xb2: {  	[dreg:$0x4] =	wrdreg s4  }
0xb3: {  	[dreg:$0x5] =	wrdreg $0x9  }
0xb4: {  	_ =	task.clear_ibuf [dreg:s9], $0x6FFFF;
	_ =	strace $0x90000046  }
0xb5: {  	s29 =	simm.s32 $0x9;
	_ =	strace $0x80000048  }
0xb6: {  	_ =	swait.ge [sflag:s29], $0x1  }
0xb7: {  	[sflag:s29] =	ssyncadd.s32 $0xFFFFFFFF  }
0xb8: {  	_ =	strace $0x90000048  }
0xb9: {  	_ =	sfence  }
0xba: {  	s30 =	sld [smem:$0x0];
	_ =	sdelay $0x2  }
0xbb: {  	s31 =	sshll.u32 s1, $0xD;
	s1 =	sshrl.u32 s1, $0x2  }
0xbc: {  	s3 =	sand.u32 $0x4000, s31;
	s1 =	sadd.s32 s1, s30  }
0xbd: {  	s0 =	sor.u32 s3, s0;
	s1 =	sshll.u32 s1, $0x11  }
0xbe: {  	s0 =	sor.u32 s1, s0  }
0xbf: {  	s0 =	sadd.s32 $0x8F2B, s0  }
0xc0: {  	[sflag:s0] =	ssyncadd.remote.s32 $0x1  }
0xc1: {  	_ =	sfence.sel $0xFFFF  }
0xc2: {  	[dreg:$0x0] =	wrdreg $0xFFFFFFFF;
	(pc) =	sbr.abs _section_cstart, $3  }
0xc3: {  	[dreg:$0x1] =	wrdreg $0xFFFFFFFF  }
0xc4: {  	_ =	task.clear_ibuf [dreg:s9], $0x2FFFF;
	_ =	strace $0x9FFFFFFF  }
0xc5: {  	(tm) =	ssettm $0x7FFFFFFF  }
tec
execute0_lowered:
.L_overlay_start_1:
0x0: {  	(tag) =	ssettag $0x1  }
0x1: {  	s6 =	rddreg [dreg:$0x0]  }
0x2: {  	s2 =	rddreg [dreg:$0x1]  }
0x3: {  	s0 =	srdreg.scid;
	s3 =	rddreg [dreg:$0x2];
	s4 =	simm.s32 $0x0  }
0x4: {  	s13 =	simm.s32 $0x2;
	s14 =	simm.s32 $0x3;
	s5 =	sand.u32 $0x1, s0  }
0x5: {  	s15 =	simm.s32 $0x0;
	s0 =	stileid.u32;
	s1 =	sshll.u32 s5, $0x5  }
0x6: {  	[smem:$0x7FF] =	sst s4;
	s8 =	sshll.u32 s0, $0x7;
	s7 =	sor.u32 s0, s1  }
0x7: {  	s5 =	ssub.s32 $0x2, s5;
	s1 =	rddreg [dreg:$0x3];
	s7 =	sshrl.u32 s7, $0x3  }
0x8: {  	s11 =	sand.u32 $0x380, s8;
	s12 =	sshrl.u32 s5, $0x1;
	s9 =	smul.u32 $0xC3800, s7  }
0x9: {  	_ =	strace $0x80000047;
	s12 =	ssub.s32 s5, s12;
	s10 =	sor.u32 $0x2, s7  }
0xa: {  	s30 =	sshll.u32 s7, $0xF;
	s29 =	smul.u32 $0xC3800, s10;
	s9 =	sor.u32 s11, s9  }
0xb: {  	s31 =	sshll.u32 s10, $0xF;
	s10 =	simm.s32 $0x80;
	s9 =	sshrl.u32 s9, $0x3  }
0xc: {  	s7 =	sor.u32 s11, s31;
	s8 =	sor.u32 s11, s29;
	s5 =	sadd.s32 s6, s9  }
0xd: {  	s8 =	sshrl.u32 s8, $0x3;
	s9 =	sor.u32 s11, s30;
	s11 =	simm.s32 $0x400  }
0xe: {  	s6 =	sadd.s32 s6, s8;
	s8 =	smax.u32 s12, $0x1;
	s12 =	simm.s32 $0x1  }
.LBB2_1:
0xf: {  	[tilespmem:s4], [sflag:$0x1] =	stream.strided.gather [hbm4b:s5+s10], $0x18700, s11, s10, $0x38;
	[tilespmem:$0x1C700] =	vst v63  }
0x10: {  	_ =	swait.ge [sflag:s12], $0x18700  }
0x11: {  	s17 =	simm.s32 $0x18700;
	[sflag:s12] =	ssyncset.done $0x0  }
0x12: {  	s16 =	sadd.s32 $0x0, s2;
	s18 =	simm.s32 $0x80;
	[sflag:s12] =	ssyncadd.s32 $0xFFFE7900  }
0x13: {  	[tilespmem:s17], [sflag:$0x2] =	stream.linear.gather [hbm4b:s16+s4], $0x80, $0x38;
	[tilespmem:$0x1C700] =	vst v63  }
.LBB2_2:
0x14: {  	p0 =	sne.s32 s18, $0xF80  }
.Ltmp0:
0x15: {  	_ = 	snop;
	(pc) =	sbr.rel @p0 .LBB2_2-.Ltmp0, $4  }
0x16: {  	_ = 	snop  }
0x17: {  	s19 =	sadd.s32 s18, s2;
	s17 =	sadd.s32 $0x100, s17  }
0x18: {  	s16 =	simm.s32 $0x0;
	s18 =	sadd.s32 $0x80, s18  }
0x19: {  	[tilespmem:s17], [sflag:$0x2] =	stream.linear.gather [hbm4b:s19+s16], $0x80, $0x38;
	[tilespmem:$0x1C700] =	vst v63  }
.LBB2_3:
0x1a: {  	s18 =	sshll.u32 s16, $0x1;
	s17 =	sshllo.u32 s16, $0x1;
	s19 =	sshll.u32 s16, $0xA  }
0x1b: {  	_ =	swait.ge [sflag:s13], $0x1000;
	s19 =	sand.u32 $0x3000, s19;
	s20 =	sshll.u32 s17, $0x4  }
0x1c: {  	s21 =	simm.s32 $0x80;
	s20 =	sand.u32 $0x70, s20;
	s19 =	sadd.s32 s2, s19  }
0x1d: {  	s22 =	simm.s32 $0x18880;
	[sflag:s13] =	ssyncset.done $0x0;
	s19 =	sadd.s32 s20, s19  }
0x1e: {  	[sflag:s13] =	ssyncadd.s32 $0xFFFFF000;
	s20 =	simm.s32 $0x18780;
	s23 =	sadd.s32 $0x0, s19  }
.LBB2_4:
0x1f: {  	[tilespmem:s20], [sflag:$0x2] =	stream.linear.gather [hbm4b:s23+s4], $0x80, $0x38;
	[tilespmem:$0x1C700] =	vst v63  }
0x20: {  	s23 =	smov.u32 s21;
	s20 =	smov.u32 s22;
	p0 =	sne.s32 s21, $0xF80  }
.Ltmp1:
0x21: {  	s21 =	sadd.s32 $0x80, s21;
	(pc) =	sbr.rel @p0 .LBB2_4-.Ltmp1, $2  }
0x22: {  	_ =	sdelay $0x2  }
0x23: {  	s22 =	sadd.s32 $0x100, s22;
	s23 =	sadd.s32 s23, s19  }
0x24: {  	[tilespmem:s20], [sflag:$0x2] =	stream.linear.gather [hbm4b:s23+s4], $0x80, $0x38;
	[tilespmem:$0x1C700] =	vst v63  }
0x25: {  	p0 =	seq.s32 s16, $0x0  }
0x26: {  	s19 =	simm.s32 @!p0 $0x3  }
0x27: {  	_ =	swait.ge @!p0 [sflag:s19], $0x1000  }
0x28: {  	[sflag:s19] =	ssyncset.done @!p0 $0x0  }
0x29: {  	[sflag:s19] =	ssyncadd.s32 @!p0 $0xFFFFF000  }
0x2a: {  	v0 =	vld [tilespmem:$0x18700];
	_ =	sdelay $0x6  }
0x2b: {  	s30 =	simm.s32 $0x0  }
0x2c: {  	v0 =	vld.idx.msk [tilespmem:v0+s30+$0x0], $0xffff  }
0x2d: {  	s31 =	sshll.u32 s16, $0x13  }
0x2e: {  	s19 =	sor.u32 s9, s31  }
0x2f: {  	s19 =	sshrl.u32 s19, $0x3  }
0x30: {  	s20 =	simm.s32 $0x1A700;
	s19 =	sadd.s32 s3, s19  }
0x31: {  	s21 =	simm.s32 $0x80;
	s22 =	simm.s32 $0x1A800;
	s23 =	sadd.s32 $0x0, s19;
	[tilespmem:$0x1A700] =	vst v0  }
.LBB2_6:
0x32: {  	[hbm4b:s23+s4] =	stream.linear.scatter [tilespmem:s20], [sflag:$0x3], $0x80, $0x38;
	[tilespmem:$0x1C700] =	vst v63  }
0x33: {  	s23 =	smov.u32 s21;
	s20 =	smov.u32 s22;
	p1 =	sne.s32 s21, $0xF80  }
.Ltmp2:
0x34: {  	s21 =	sadd.s32 $0x80, s21;
	(pc) =	sbr.rel @p1 .LBB2_6-.Ltmp2, $2  }
0x35: {  	_ =	sdelay $0x2  }
0x36: {  	s22 =	sadd.s32 $0x100, s22;
	s23 =	sadd.s32 s23, s19  }
0x37: {  	p1 =	seq.s32 s16, $0xC  }
.Ltmp3:
0x38: {  	_ = 	snop;
	(pc) =	sbr.rel @p1 .LBB2_11-.Ltmp3, $4  }
0x39: {  	[hbm4b:s23+s4] =	stream.linear.scatter [tilespmem:s20], [sflag:$0x3], $0x80, $0x38;
	[tilespmem:$0x1C700] =	vst v63  }
0x3a: {  	_ =	swait.ge [sflag:s13], $0x1000  }
0x3b: {  	[sflag:s13] =	ssyncset.done $0x0  }
0x3c: {  	[sflag:s13] =	ssyncadd.s32 $0xFFFFF000  }
0x3d: {  	s18 =	sadd.s32 $0x2, s18  }
0x3e: {  	s19 =	sshll.u32 s18, $0x4  }
0x3f: {  	s18 =	sshll.u32 s18, $0x9;
	s19 =	sand.u32 $0x60, s19  }
0x40: {  	s18 =	sand.u32 $0x7000, s18;
	s19 =	sadd.s32 s2, s19  }
0x41: {  	s20 =	simm.s32 $0x80;
	s18 =	sadd.s32 s18, s19  }
0x42: {  	s21 =	simm.s32 $0x18800;
	s19 =	simm.s32 $0x18700;
	s22 =	sadd.s32 $0x0, s18  }
.LBB2_9:
0x43: {  	[tilespmem:s19], [sflag:$0x2] =	stream.linear.gather [hbm4b:s22+s4], $0x80, $0x38;
	[tilespmem:$0x1C700] =	vst v63  }
0x44: {  	s22 =	smov.u32 s20;
	s19 =	smov.u32 s21;
	p1 =	sne.s32 s20, $0xF80  }
.Ltmp4:
0x45: {  	s20 =	sadd.s32 $0x80, s20;
	(pc) =	sbr.rel @p1 .LBB2_9-.Ltmp4, $2  }
0x46: {  	_ =	sdelay $0x2  }
0x47: {  	s21 =	sadd.s32 $0x100, s21;
	s22 =	sadd.s32 s22, s18  }
.Ltmp5:
0x48: {  	(pc) =	sbr.rel @p0 .LBB2_12-.Ltmp5, $2  }
0x49: {  	_ =	sdelay $0x2  }
0x4a: {  	[tilespmem:s19], [sflag:$0x2] =	stream.linear.gather [hbm4b:s22+s4], $0x80, $0x38;
	[tilespmem:$0x1C700] =	vst v63  }
.LBB2_11:
0x4b: {  	_ =	swait.ge [sflag:s14], $0x1000  }
0x4c: {  	[sflag:s14] =	ssyncset.done $0x0  }
0x4d: {  	[sflag:s14] =	ssyncadd.s32 $0xFFFFF000  }
.LBB2_12:
0x4e: {  	v0 =	vld [tilespmem:$0x18780];
	_ =	sdelay $0x6  }
0x4f: {  	s18 =	simm.s32 $0x0  }
0x50: {  	v0 =	vld.idx.msk [tilespmem:v0+s18+$0x0], $0xffff  }
0x51: {  	s17 =	sshll.u32 s17, $0x12  }
0x52: {  	s17 =	sor.u32 s9, s17  }
0x53: {  	s17 =	sshrl.u32 s17, $0x3  }
0x54: {  	s19 =	simm.s32 $0x80;
	s17 =	sadd.s32 s3, s17  }
0x55: {  	s20 =	simm.s32 $0x1A880;
	s21 =	sadd.s32 $0x0, s17;
	s18 =	simm.s32 $0x1A780;
	[tilespmem:$0x1A780] =	vst v0  }
.LBB2_13:
0x56: {  	[hbm4b:s21+s4] =	stream.linear.scatter [tilespmem:s18], [sflag:$0x3], $0x80, $0x38;
	[tilespmem:$0x1C700] =	vst v63  }
0x57: {  	s21 =	smov.u32 s19;
	s18 =	smov.u32 s20;
	p0 =	sne.s32 s19, $0xF80  }
.Ltmp6:
0x58: {  	s19 =	sadd.s32 $0x80, s19;
	(pc) =	sbr.rel @p0 .LBB2_13-.Ltmp6, $2  }
0x59: {  	_ =	sdelay $0x2  }
0x5a: {  	s20 =	sadd.s32 $0x100, s20;
	s21 =	sadd.s32 s21, s17  }
0x5b: {  	s16 =	sadd.s32 $0x1, s16  }
0x5c: {  	p0 =	sne.s32 s16, $0xD  }
.Ltmp7:
0x5d: {  	_ = 	snop;
	(pc) =	sbr.rel @p0 .LBB2_3-.Ltmp7, $2  }
0x5e: {  	_ =	sdelay $0x2  }
0x5f: {  	[hbm4b:s21+s4] =	stream.linear.scatter [tilespmem:s18], [sflag:$0x3], $0x80, $0x38;
	[tilespmem:$0x1C700] =	vst v63  }
0x60: {  	_ =	swait.ge [sflag:s14], $0x1000  }
0x61: {  	[sflag:s14] =	ssyncset.done $0x0  }
0x62: {  	[sflag:s14] =	ssyncadd.s32 $0xFFFFF000  }
0x63: {  	_ =	swait.ge [sflag:s14], $0x1000  }
0x64: {  	[sflag:s14] =	ssyncset.done $0x0  }
0x65: {  	s16 =	simm.s32 $0x0;
	[sflag:s14] =	ssyncadd.s32 $0xFFFFF000  }
0x66: {  	[tilespmem:s16], [sflag:$0x1] =	stream.strided.gather [hbm4b:s6+s10], $0x18700, s11, s10, $0x38;
	[tilespmem:$0x1C700] =	vst v63  }
0x67: {  	_ =	swait.ge [sflag:s12], $0x18700  }
0x68: {  	s17 =	simm.s32 $0x18700;
	s18 =	simm.s32 $0x80;
	[sflag:s12] =	ssyncset.done $0x0  }
0x69: {  	s20 =	sadd.s32 $0x0, s2;
	s19 =	simm.s32 $0x18800;
	[sflag:s12] =	ssyncadd.s32 $0xFFFE7900  }
.LBB2_16:
0x6a: {  	[tilespmem:s17], [sflag:$0x2] =	stream.linear.gather [hbm4b:s20+s16], $0x80, $0x38;
	[tilespmem:$0x1C700] =	vst v63  }
0x6b: {  	s20 =	smov.u32 s18;
	s17 =	smov.u32 s19;
	p0 =	sne.s32 s18, $0xF80  }
.Ltmp8:
0x6c: {  	s18 =	sadd.s32 $0x80, s18;
	(pc) =	sbr.rel @p0 .LBB2_16-.Ltmp8, $2  }
0x6d: {  	_ =	sdelay $0x2  }
0x6e: {  	s19 =	sadd.s32 $0x100, s19;
	s20 =	sadd.s32 s20, s2  }
0x6f: {  	[tilespmem:s17], [sflag:$0x2] =	stream.linear.gather [hbm4b:s20+s16], $0x80, $0x38;
	[tilespmem:$0x1C700] =	vst v63  }
.LBB2_18:
0x70: {  	s18 =	sshll.u32 s16, $0x1;
	s17 =	sshllo.u32 s16, $0x1;
	s19 =	sshll.u32 s16, $0xA  }
0x71: {  	_ =	swait.ge [sflag:s13], $0x1000;
	s19 =	sand.u32 $0x3000, s19;
	s20 =	sshll.u32 s17, $0x4  }
0x72: {  	s21 =	simm.s32 $0x80;
	s20 =	sand.u32 $0x70, s20;
	s19 =	sadd.s32 s2, s19  }
0x73: {  	s22 =	simm.s32 $0x18880;
	[sflag:s13] =	ssyncset.done $0x0;
	s19 =	sadd.s32 s20, s19  }
0x74: {  	[sflag:s13] =	ssyncadd.s32 $0xFFFFF000;
	s20 =	simm.s32 $0x18780;
	s23 =	sadd.s32 $0x0, s19  }
.LBB2_19:
0x75: {  	[tilespmem:s20], [sflag:$0x2] =	stream.linear.gather [hbm4b:s23+s4], $0x80, $0x38;
	[tilespmem:$0x1C700] =	vst v63  }
0x76: {  	s23 =	smov.u32 s21;
	s20 =	smov.u32 s22;
	p0 =	sne.s32 s21, $0xF80  }
.Ltmp9:
0x77: {  	s21 =	sadd.s32 $0x80, s21;
	(pc) =	sbr.rel @p0 .LBB2_19-.Ltmp9, $2  }
0x78: {  	_ =	sdelay $0x2  }
0x79: {  	s22 =	sadd.s32 $0x100, s22;
	s23 =	sadd.s32 s23, s19  }
0x7a: {  	[tilespmem:s20], [sflag:$0x2] =	stream.linear.gather [hbm4b:s23+s4], $0x80, $0x38;
	[tilespmem:$0x1C700] =	vst v63  }
0x7b: {  	p0 =	seq.s32 s16, $0x0  }
0x7c: {  	s19 =	simm.s32 @!p0 $0x3  }
0x7d: {  	_ =	swait.ge @!p0 [sflag:s19], $0x1000  }
0x7e: {  	[sflag:s19] =	ssyncset.done @!p0 $0x0  }
0x7f: {  	[sflag:s19] =	ssyncadd.s32 @!p0 $0xFFFFF000  }
0x80: {  	v0 =	vld [tilespmem:$0x18700];
	_ =	sdelay $0x6  }
0x81: {  	s30 =	simm.s32 $0x0  }
0x82: {  	v0 =	vld.idx.msk [tilespmem:v0+s30+$0x0], $0xffff  }
0x83: {  	s31 =	sshll.u32 s16, $0x13  }
0x84: {  	s19 =	sadd.s32 s7, s31  }
0x85: {  	s19 =	sshrl.u32 s19, $0x3  }
0x86: {  	s20 =	simm.s32 $0x1A700;
	s19 =	sadd.s32 s3, s19  }
0x87: {  	s21 =	simm.s32 $0x80;
	s22 =	simm.s32 $0x1A800;
	s23 =	sadd.s32 $0x0, s19;
	[tilespmem:$0x1A700] =	vst v0  }
.LBB2_21:
0x88: {  	[hbm4b:s23+s4] =	stream.linear.scatter [tilespmem:s20], [sflag:$0x3], $0x80, $0x38;
	[tilespmem:$0x1C700] =	vst v63  }
0x89: {  	s23 =	smov.u32 s21;
	s20 =	smov.u32 s22;
	p1 =	sne.s32 s21, $0xF80  }
.Ltmp10:
0x8a: {  	s21 =	sadd.s32 $0x80, s21;
	(pc) =	sbr.rel @p1 .LBB2_21-.Ltmp10, $2  }
0x8b: {  	_ =	sdelay $0x2  }
0x8c: {  	s22 =	sadd.s32 $0x100, s22;
	s23 =	sadd.s32 s23, s19  }
0x8d: {  	p1 =	seq.s32 s16, $0xC  }
.Ltmp11:
0x8e: {  	_ = 	snop;
	(pc) =	sbr.rel @p1 .LBB2_26-.Ltmp11, $4  }
0x8f: {  	[hbm4b:s23+s4] =	stream.linear.scatter [tilespmem:s20], [sflag:$0x3], $0x80, $0x38;
	[tilespmem:$0x1C700] =	vst v63  }
0x90: {  	_ =	swait.ge [sflag:s13], $0x1000  }
0x91: {  	[sflag:s13] =	ssyncset.done $0x0  }
0x92: {  	[sflag:s13] =	ssyncadd.s32 $0xFFFFF000  }
0x93: {  	s18 =	sadd.s32 $0x2, s18  }
0x94: {  	s19 =	sshll.u32 s18, $0x4  }
0x95: {  	s18 =	sshll.u32 s18, $0x9;
	s19 =	sand.u32 $0x60, s19  }
0x96: {  	s18 =	sand.u32 $0x7000, s18;
	s19 =	sadd.s32 s2, s19  }
0x97: {  	s20 =	simm.s32 $0x80;
	s18 =	sadd.s32 s18, s19  }
0x98: {  	s21 =	simm.s32 $0x18800;
	s19 =	simm.s32 $0x18700;
	s22 =	sadd.s32 $0x0, s18  }
.LBB2_24:
0x99: {  	[tilespmem:s19], [sflag:$0x2] =	stream.linear.gather [hbm4b:s22+s4], $0x80, $0x38;
	[tilespmem:$0x1C700] =	vst v63  }
0x9a: {  	s22 =	smov.u32 s20;
	s19 =	smov.u32 s21;
	p1 =	sne.s32 s20, $0xF80  }
.Ltmp12:
0x9b: {  	s20 =	sadd.s32 $0x80, s20;
	(pc) =	sbr.rel @p1 .LBB2_24-.Ltmp12, $2  }
0x9c: {  	_ =	sdelay $0x2  }
0x9d: {  	s21 =	sadd.s32 $0x100, s21;
	s22 =	sadd.s32 s22, s18  }
.Ltmp13:
0x9e: {  	(pc) =	sbr.rel @p0 .LBB2_27-.Ltmp13, $2  }
0x9f: {  	_ =	sdelay $0x2  }
0xa0: {  	[tilespmem:s19], [sflag:$0x2] =	stream.linear.gather [hbm4b:s22+s4], $0x80, $0x38;
	[tilespmem:$0x1C700] =	vst v63  }
.LBB2_26:
0xa1: {  	_ =	swait.ge [sflag:s14], $0x1000  }
0xa2: {  	[sflag:s14] =	ssyncset.done $0x0  }
0xa3: {  	[sflag:s14] =	ssyncadd.s32 $0xFFFFF000  }
.LBB2_27:
0xa4: {  	v0 =	vld [tilespmem:$0x18780];
	_ =	sdelay $0x6  }
0xa5: {  	s18 =	simm.s32 $0x0  }
0xa6: {  	v0 =	vld.idx.msk [tilespmem:v0+s18+$0x0], $0xffff  }
0xa7: {  	s17 =	sshll.u32 s17, $0x12  }
0xa8: {  	s17 =	sadd.s32 s7, s17  }
0xa9: {  	s17 =	sshrl.u32 s17, $0x3  }
0xaa: {  	s19 =	simm.s32 $0x80;
	s17 =	sadd.s32 s3, s17  }
0xab: {  	s20 =	simm.s32 $0x1A880;
	s21 =	sadd.s32 $0x0, s17;
	s18 =	simm.s32 $0x1A780;
	[tilespmem:$0x1A780] =	vst v0  }
.LBB2_28:
0xac: {  	[hbm4b:s21+s4] =	stream.linear.scatter [tilespmem:s18], [sflag:$0x3], $0x80, $0x38;
	[tilespmem:$0x1C700] =	vst v63  }
0xad: {  	s21 =	smov.u32 s19;
	s18 =	smov.u32 s20;
	p0 =	sne.s32 s19, $0xF80  }
.Ltmp14:
0xae: {  	s19 =	sadd.s32 $0x80, s19;
	(pc) =	sbr.rel @p0 .LBB2_28-.Ltmp14, $2  }
0xaf: {  	_ =	sdelay $0x2  }
0xb0: {  	s20 =	sadd.s32 $0x100, s20;
	s21 =	sadd.s32 s21, s17  }
0xb1: {  	s16 =	sadd.s32 $0x1, s16  }
0xb2: {  	p0 =	sne.s32 s16, $0xD  }
.Ltmp15:
0xb3: {  	_ = 	snop;
	(pc) =	sbr.rel @p0 .LBB2_18-.Ltmp15, $2  }
0xb4: {  	_ =	sdelay $0x2  }
0xb5: {  	[hbm4b:s21+s4] =	stream.linear.scatter [tilespmem:s18], [sflag:$0x3], $0x80, $0x38;
	[tilespmem:$0x1C700] =	vst v63  }
0xb6: {  	s15 =	sadd.s32 $0x1, s15  }
0xb7: {  	_ =	swait.ge [sflag:s14], $0x1000;
	p0 =	sne.s32 s15, s8  }
.Ltmp16:
0xb8: {  	[sflag:s14] =	ssyncset.done $0x0;
	(pc) =	sbr.rel @p0 .LBB2_1-.Ltmp16, $4  }
0xb9: {  	[sflag:s14] =	ssyncadd.s32 $0xFFFFF000  }
0xba: {  	_ =	swait.ge [sflag:s14], $0x1000  }
0xbb: {  	[sflag:s14] =	ssyncset.done $0x0  }
0xbc: {  	[sflag:s14] =	ssyncadd.s32 $0xFFFFF000  }
0xbd: {  	_ =	sfence.sel $0x180000  }
0xbe: {  	[bflag:$0x0] =	sbarrier.arrive $0xFFFF  }
0xbf: {  	p0 =	sne.s32 s0, $0x0;
	_ =	strace $0x90000047  }
0xc0: {  	s0 =	sadd.s32 @!p0 $0x100000, s1;
	[bflag:$0x2] =	sbarrier.arrive $0xFFFF  }
0xc1: {  	[sflag:s0] =	ssyncadd.tile.s32 @!p0 $0x1;
	_ =	shalt  }
.Lfunc_end2:
_tile_overlayer_lowered:
.L_overlay_start_2:
0xc2: {  	(tag) =	ssettag $0x2  }
0xc3: {  	s0 =	rddreg [dreg:$0x0];
	s2 =	stileid.u32  }
0xc4: {  	s1 =	rddreg [dreg:$0x1];
	p0 =	sne.s32 s2, $0x0  }
0xc5: {  	s3 =	rddreg [dreg:$0x2];
	[bflag:$0x3] =	sbarrier.arrive $0xFFFF;
	s2 =	simm.s32 @!p0 $0x1C04  }
0xc6: {  	[timem:s3], [sflag:s2] =	dma.local @!p0 [hbm:s0], s1  }
0xc7: {  	s0 =	simm.s32 @!p0 $0x4  }
0xc8: {  	_ =	swait.ge @!p0 [sflag:s0], s1  }
0xc9: {  	s1 =	ssub.s32 @!p0 $0x0, s1;
	[sflag:s0] =	ssyncset.done @!p0 $0x0  }
0xca: {  	[sflag:s0] =	ssyncadd.s32 @!p0 s1  }
0xcb: {  	[bflag:$0x3] =	sbarrier.arrive $0xFFFF  }
0xcc: {  	_ =	shalt  }

</sc_bundles>
